<compile_context>
chip_gen: v7x
topology: tpu7x:2x2x1
jax: 0.10.2.dev20260603
libtpu: 0.0.44.dev20260713+nightly
codegen_flags: <defaults>
</compile_context>

<pallas_src>
import functools

import jax
import jax.numpy as jnp
from jax import lax
from jax.experimental import pallas as pl
from jax.experimental.pallas import tpu as pltpu
from jax.experimental.pallas import tpu_sc as plsc

_NEG = float(-3.0e38)



def _make_sc_max(batch, seq, d_model):
    info = plsc.get_sparse_core_info()
    nc, ns, lanes = info.num_cores, info.num_subcores, info.num_lanes
    nw = nc * ns
    strips = nw // batch
    fw = d_model // strips
    g = fw // lanes
    nch = 4
    ch = seq // nch
    ru = 8

    mesh = plsc.VectorSubcoreMesh(core_axis_name="c", subcore_axis_name="s")

    @functools.partial(
        pl.kernel, mesh=mesh,
        out_type=jax.ShapeDtypeStruct((batch, d_model), jnp.float32),
        compiler_params=pltpu.CompilerParams(use_tc_tiling_on_sc=False),
        scratch_types=[
            pltpu.VMEM((ch, fw), jnp.float32),
            pltpu.VMEM((ch, fw), jnp.float32),
            pltpu.VMEM((fw,), jnp.float32),
            pltpu.SemaphoreType.DMA,
            pltpu.SemaphoreType.DMA,
        ],
    )
    def sc_max(x_hbm, out_hbm, buf0, buf1, acc_vm, sem0, sem1):
        wid = lax.axis_index("s") * nc + lax.axis_index("c")
        b = wid // strips
        f0 = (wid % strips) * fw

        bufs = (buf0, buf1)
        sems = (sem0, sem1)
        copies = [
            pltpu.make_async_copy(
                x_hbm.at[b, pl.ds(ci * ch, ch), pl.ds(f0, fw)],
                bufs[ci % 2], sems[ci % 2])
            for ci in range(nch)
        ]
        copies[0].start()
        accs = tuple(jnp.full((lanes,), _NEG, jnp.float32) for _ in range(g))
        for ci in range(nch):
            if ci + 1 < nch:
                copies[ci + 1].start()
            copies[ci].wait()
            buf = bufs[ci % 2]

            def step(i, accs, buf=buf):
                out = list(accs)
                for r in range(ru):
                    row = i * ru + r
                    for gi in range(g):
                        out[gi] = jnp.maximum(
                            out[gi], buf[row, pl.ds(gi * lanes, lanes)])
                return tuple(out)

            accs = lax.fori_loop(0, ch // ru, step, accs, unroll=1)
        for gi in range(g):
            acc_vm[pl.ds(gi * lanes, lanes)] = accs[gi]
        pltpu.sync_copy(acc_vm, out_hbm.at[b, pl.ds(f0, fw)])

    return sc_max



def _tail_body(xmax_ref, pk_ref, idx_ref, sim_ref, bkn_ref, rs_ref,
               *, batch, pool, topk):
    xmax = xmax_ref[...]
    pk = pk_ref[...]
    pn = pk * jax.lax.rsqrt(
        jnp.maximum(jnp.sum(pk * pk, axis=1, keepdims=True), 1e-12))
    xn = xmax * jax.lax.rsqrt(
        jnp.maximum(jnp.sum(xmax * xmax, axis=1, keepdims=True), 1e-12))
    sim = jax.lax.dot_general(
        xn, pn, (((1,), (1,)), ((), ())),
        preferred_element_type=jnp.float32)
    iota = jax.lax.broadcasted_iota(jnp.int32, (batch, pool), 1)
    big = jnp.int32(pool)
    neg = jnp.float32(-jnp.inf)
    v1 = jnp.max(sim, axis=1, keepdims=True)
    i1 = jnp.min(jnp.where(sim == v1, iota, big), axis=1, keepdims=True)
    sim2 = jnp.where(iota == i1, neg, sim)
    v2 = jnp.max(sim2, axis=1, keepdims=True)
    i2 = jnp.min(jnp.where(sim2 == v2, iota, big), axis=1, keepdims=True)
    idx = jnp.concatenate([i1, i2], axis=1)
    oh1 = (iota == i1).astype(jnp.float32)
    oh2 = (iota == i2).astype(jnp.float32)
    bkn1 = jax.lax.dot_general(
        oh1, pn, (((1,), (0,)), ((), ())),
        preferred_element_type=jnp.float32)
    bkn2 = jax.lax.dot_general(
        oh2, pn, (((1,), (0,)), ((), ())),
        preferred_element_type=jnp.float32)
    idx_ref[...] = idx
    sim_ref[...] = sim
    bkn_ref[0] = bkn1
    bkn_ref[1] = bkn2
    rs_ref[...] = ((jnp.sum(v1) + jnp.sum(v2)) / batch)[None, None]


def _tc_tail(xmax, prompt_key):
    batch, d_model = xmax.shape
    pool = prompt_key.shape[0]
    topk = 2
    return pl.pallas_call(
        functools.partial(_tail_body, batch=batch, pool=pool, topk=topk),
        out_shape=[
            jax.ShapeDtypeStruct((batch, topk), jnp.int32),
            jax.ShapeDtypeStruct((batch, pool), jnp.float32),
            jax.ShapeDtypeStruct((topk, batch, d_model), jnp.float32),
            jax.ShapeDtypeStruct((1, 1), jnp.float32),
        ],
    )(xmax, prompt_key)


def kernel(x_embed, prompt_key):
    batch, seq, d_model = x_embed.shape
    xmax = _make_sc_max(batch, seq, d_model)(x_embed)
    idx, sim, bkn, rs = _tc_tail(xmax, prompt_key)
    return (idx, sim, bkn.transpose(1, 0, 2), rs.reshape(()))

# --- scband reference (transcript-rebuilt; emitter-appended) ---
"""Pipeline reference for scband-adapter-pool-53180285059210 (READ-ONLY COPY).

The authoritative reference and input builder live on the scoring server;
editing this copy changes nothing except your own understanding.
"""

import jax, jax.numpy as jnp
import numpy as np

POOL_SIZE = 10
TOP_K = 2
D_MODEL = 768
BATCH = 4
SEQ = 2048


def l2_normalize(x, axis=None, epsilon=1e-12):
    square_sum = jnp.sum(x ** 2, axis=axis, keepdims=True)
    x_inv_norm = jax.lax.rsqrt(jnp.maximum(square_sum, epsilon))
    return x * x_inv_norm


def setup_inputs(seed: int = 0) -> dict:
    key = jax.random.key(seed)
    k1, k2 = jax.random.split(key)
    x_embed = jax.random.normal(k1, (BATCH, SEQ, D_MODEL), dtype=jnp.float32)
    # prompt_key parameter, uniform init in [-1, 1] as in the torch module
    prompt_key = jax.random.uniform(k2, (POOL_SIZE, D_MODEL), dtype=jnp.float32, minval=-1.0, maxval=1.0)
    return {"x_embed": x_embed, "prompt_key": prompt_key}


def reference(x_embed, prompt_key):
    # embedding_key == 'cls' with cls_features=None -> max over sequence dim
    x_embed_mean = jnp.max(x_embed, axis=1)
    prompt_norm = l2_normalize(prompt_key, axis=1)
    x_embed_norm = l2_normalize(x_embed_mean, axis=1)
    similarity = jnp.matmul(x_embed_norm, prompt_norm.T)  # [B, pool_size]
    # prompt_mask is None, batchwise_prompt=False -> plain per-sample topk routing
    _, idx = jax.lax.top_k(similarity, TOP_K)  # [B, top_k]
    batched_key_norm = prompt_norm[idx]  # [B, top_k, D]
    x_exp = x_embed_norm[:, None, :]  # [B, 1, D]
    sim = batched_key_norm * x_exp
    reduce_sim = jnp.sum(sim) / x_embed.shape[0]
    return (idx, similarity, batched_key_norm, reduce_sim)

if __name__ == "__main__":
    import jax
    _d = setup_inputs()
    print(jax.jit(kernel)(*tuple(_d.values())))

</pallas_src>

<mosaic_0001>
#map = affine_map<(d0, d1) -> (0, 0, 0)>
#map1 = affine_map<(d0, d1) -> (0, 0)>
module attributes {stable_mosaic.version = 14 : i64} {
  func.func @sc_max(%arg0: i32, %arg1: i32, %arg2: memref<4x2048x768xf32, #tpu.memory_space<hbm>>, %arg3: memref<4x768xf32, #tpu.memory_space<hbm>>, %arg4: memref<512x96xf32, #tpu.memory_space<vmem>>, %arg5: memref<512x96xf32, #tpu.memory_space<vmem>>, %arg6: memref<96xf32, #tpu.memory_space<vmem>>, %arg7: memref<!tpu.dma_semaphore, #tpu.memory_space<semaphore_mem>>, %arg8: memref<!tpu.dma_semaphore, #tpu.memory_space<semaphore_mem>>) attributes {dimension_semantics = [#tpu.dimension_semantics<core_parallel>, #tpu.dimension_semantics<subcore_parallel>], iteration_bounds = array<i64: 2, 16>, scalar_prefetch = 0 : i64, scratch_operands = 5 : i64, tpu.core_type = #tpu.core_type<sc_vector_subcore>, window_params = [{transform_indices = #map}, {transform_indices = #map1}]} {
    %mul3A = arith.constant 2 : i32
    %mul3A_0 = arith.muli %arg1, %mul3A : i32
    %add3A = arith.addi %mul3A_0, %arg0 : i32
    %jit3A = arith.constant 8 : i32
    %div3A = arith.divsi %add3A, %jit3A : i32
    %sign3A = arith.constant 0 : i32
    %sign3A_1 = arith.cmpi sgt, %add3A, %sign3A : i32
    %sign3A_2 = arith.extui %sign3A_1 : i1 to i32
    %sign3A_3 = arith.constant 0 : i32
    %sign3A_4 = arith.cmpi slt, %add3A, %sign3A_3 : i32
    %sign3A_5 = arith.extui %sign3A_4 : i1 to i32
    %sign3A_6 = arith.subi %sign3A_2, %sign3A_5 : i32
    %sign3A_7 = arith.constant 0 : i32
    %sign3A_8 = arith.cmpi sgt, %jit3A, %sign3A_7 : i32
    %sign3A_9 = arith.extui %sign3A_8 : i1 to i32
    %sign3A_10 = arith.constant 0 : i32
    %sign3A_11 = arith.cmpi slt, %jit3A, %sign3A_10 : i32
    %sign3A_12 = arith.extui %sign3A_11 : i1 to i32
    %sign3A_13 = arith.subi %sign3A_9, %sign3A_12 : i32
    %ne3A = arith.cmpi ne, %sign3A_6, %sign3A_13 : i32
    %rem3A = arith.remsi %add3A, %jit3A : i32
    %ne3A_14 = arith.constant 0 : i32
    %ne3A_15 = arith.cmpi ne, %rem3A, %ne3A_14 : i32
    %and3A = arith.andi %ne3A, %ne3A_15 : i1
    %sub3A = arith.constant 1 : i32
    %sub3A_16 = arith.subi %div3A, %sub3A : i32
    %select_n3A = arith.select %and3A, %sub3A_16, %div3A : i32
    %jit3A_17 = arith.constant 8 : i32
    %eq3A = arith.constant 0 : i32
    %eq3A_18 = arith.cmpi eq, %jit3A_17, %eq3A : i32
    %jit3A_19 = arith.constant 1 : i32
    %select_n3A_20 = arith.select %eq3A_18, %jit3A_19, %jit3A_17 : i32
    %rem3A_21 = arith.remsi %add3A, %select_n3A_20 : i32
    %ne3A_22 = arith.constant 0 : i32
    %ne3A_23 = arith.cmpi ne, %rem3A_21, %ne3A_22 : i32
    %lt3A = arith.constant 0 : i32
    %lt3A_24 = arith.cmpi slt, %rem3A_21, %lt3A : i32
    %lt3A_25 = arith.constant 0 : i32
    %lt3A_26 = arith.cmpi slt, %select_n3A_20, %lt3A_25 : i32
    %ne3A_27 = arith.xori %lt3A_24, %lt3A_26 : i1
    %and3A_28 = arith.andi %ne3A_27, %ne3A_23 : i1
    %add3A_29 = arith.addi %rem3A_21, %select_n3A_20 : i32
    %select_n3A_30 = arith.select %and3A_28, %add3A_29, %rem3A_21 : i32
    %mul3A_31 = arith.constant 96 : i32
    %mul3A_32 = arith.muli %select_n3A_30, %mul3A_31 : i32
    %dma_start3A = arith.constant 0 : i32
    %dma_start3A_33 = tpu.memref_slice %arg2[%select_n3A, %dma_start3A, %mul3A_32] : memref<4x2048x768xf32, #tpu.memory_space<hbm>> -> memref<1x512x96xf32, #tpu.memory_space<hbm>>
    %dma_start3A_34 = tpu.memref_squeeze %dma_start3A_33 : memref<1x512x96xf32, #tpu.memory_space<hbm>> -> memref<512x96xf32, #tpu.memory_space<hbm>>
    %dma_start3A_35 = arith.constant 0 : i32
    %dma_start3A_36 = tpu.memref_slice %arg2[%select_n3A, %dma_start3A_35, %mul3A_32] : memref<4x2048x768xf32, #tpu.memory_space<hbm>> -> memref<1x512x96xf32, #tpu.memory_space<hbm>>
    %dma_start3A_37 = tpu.memref_squeeze %dma_start3A_36 : memref<1x512x96xf32, #tpu.memory_space<hbm>> -> memref<512x96xf32, #tpu.memory_space<hbm>>
    tpu.enqueue_dma source(%dma_start3A_37 : memref<512x96xf32, #tpu.memory_space<hbm>>) target(%arg4 : memref<512x96xf32, #tpu.memory_space<vmem>>) target_semaphore(%arg7 : memref<!tpu.dma_semaphore, #tpu.memory_space<semaphore_mem>>)
    %broadcast_in_dim3A = arith.constant -3.000000e+38 : f32
    %broadcast_in_dim3A_38 = vector.broadcast %broadcast_in_dim3A : f32 to vector<16xf32>
    %broadcast_in_dim3A_39 = arith.constant -3.000000e+38 : f32
    %broadcast_in_dim3A_40 = vector.broadcast %broadcast_in_dim3A_39 : f32 to vector<16xf32>
    %broadcast_in_dim3A_41 = arith.constant -3.000000e+38 : f32
    %broadcast_in_dim3A_42 = vector.broadcast %broadcast_in_dim3A_41 : f32 to vector<16xf32>
    %broadcast_in_dim3A_43 = arith.constant -3.000000e+38 : f32
    %broadcast_in_dim3A_44 = vector.broadcast %broadcast_in_dim3A_43 : f32 to vector<16xf32>
    %broadcast_in_dim3A_45 = arith.constant -3.000000e+38 : f32
    %broadcast_in_dim3A_46 = vector.broadcast %broadcast_in_dim3A_45 : f32 to vector<16xf32>
    %broadcast_in_dim3A_47 = arith.constant -3.000000e+38 : f32
    %broadcast_in_dim3A_48 = vector.broadcast %broadcast_in_dim3A_47 : f32 to vector<16xf32>
    %dma_start3A_49 = arith.constant 512 : i32
    %dma_start3A_50 = tpu.memref_slice %arg2[%select_n3A, %dma_start3A_49, %mul3A_32] : memref<4x2048x768xf32, #tpu.memory_space<hbm>> -> memref<1x512x96xf32, #tpu.memory_space<hbm>>
    %dma_start3A_51 = tpu.memref_squeeze %dma_start3A_50 : memref<1x512x96xf32, #tpu.memory_space<hbm>> -> memref<512x96xf32, #tpu.memory_space<hbm>>
    %dma_start3A_52 = arith.constant 512 : i32
    %dma_start3A_53 = tpu.memref_slice %arg2[%select_n3A, %dma_start3A_52, %mul3A_32] : memref<4x2048x768xf32, #tpu.memory_space<hbm>> -> memref<1x512x96xf32, #tpu.memory_space<hbm>>
    %dma_start3A_54 = tpu.memref_squeeze %dma_start3A_53 : memref<1x512x96xf32, #tpu.memory_space<hbm>> -> memref<512x96xf32, #tpu.memory_space<hbm>>
    tpu.enqueue_dma source(%dma_start3A_54 : memref<512x96xf32, #tpu.memory_space<hbm>>) target(%arg5 : memref<512x96xf32, #tpu.memory_space<vmem>>) target_semaphore(%arg8 : memref<!tpu.dma_semaphore, #tpu.memory_space<semaphore_mem>>)
    %dma_wait3A = arith.constant 0 : i32
    %dma_wait3A_55 = tpu.memref_slice %arg2[%select_n3A, %dma_wait3A, %mul3A_32] : memref<4x2048x768xf32, #tpu.memory_space<hbm>> -> memref<1x512x96xf32, #tpu.memory_space<hbm>>
    %dma_wait3A_56 = tpu.memref_squeeze %dma_wait3A_55 : memref<1x512x96xf32, #tpu.memory_space<hbm>> -> memref<512x96xf32, #tpu.memory_space<hbm>>
    %dma_wait3A_57 = arith.constant 0 : i32
    %dma_wait3A_58 = tpu.memref_slice %arg2[%select_n3A, %dma_wait3A_57, %mul3A_32] : memref<4x2048x768xf32, #tpu.memory_space<hbm>> -> memref<1x512x96xf32, #tpu.memory_space<hbm>>
    %dma_wait3A_59 = tpu.memref_squeeze %dma_wait3A_58 : memref<1x512x96xf32, #tpu.memory_space<hbm>> -> memref<512x96xf32, #tpu.memory_space<hbm>>
    tpu.wait_dma2 semaphore(%arg7 : memref<!tpu.dma_semaphore, #tpu.memory_space<semaphore_mem>>) src(%dma_wait3A_59 : memref<512x96xf32, #tpu.memory_space<hbm>>) dst(%arg4 : memref<512x96xf32, #tpu.memory_space<vmem>>)
    %scan3A = arith.constant 0 : i32
    %scan3A_60 = arith.constant 64 : i32
    %scan3A_61 = arith.addi %scan3A, %scan3A_60 : i32
    %scan3A_62 = arith.constant 1 : i32
    %scan3A_63:6 = scf.for %scan3A_136 = %scan3A to %scan3A_61 step %scan3A_62 iter_args(%scan3A_137 = %broadcast_in_dim3A_38, %scan3A_138 = %broadcast_in_dim3A_40, %scan3A_139 = %broadcast_in_dim3A_42, %scan3A_140 = %broadcast_in_dim3A_44, %scan3A_141 = %broadcast_in_dim3A_46, %scan3A_142 = %broadcast_in_dim3A_48) -> (vector<16xf32>, vector<16xf32>, vector<16xf32>, vector<16xf32>, vector<16xf32>, vector<16xf32>)  : i32 {
      %mul3A_143 = arith.constant 8 : i32
      %mul3A_144 = arith.muli %scan3A_136, %mul3A_143 : i32
      %add3A_145 = arith.constant 0 : i32
      %add3A_146 = arith.addi %mul3A_144, %add3A_145 : i32
      %get3A = arith.index_cast %add3A_146 : i32 to index
      %get3A_147 = arith.constant 0 : index
      %get3A_148 = tpu.vector_load %arg4[%get3A, %get3A_147] {strides = array<i32>} : memref<512x96xf32, #tpu.memory_space<vmem>>, vector<1x16xf32>,
      %get3A_149 = vector.shape_cast %get3A_148 : vector<1x16xf32> to vector<16xf32>
      %max3A = arith.maximumf %scan3A_137, %get3A_149 : vector<16xf32>
      %get3A_150 = arith.index_cast %add3A_146 : i32 to index
      %get3A_151 = arith.constant 16 : index
      %get3A_152 = tpu.vector_load %arg4[%get3A_150, %get3A_151] {strides = array<i32>} : memref<512x96xf32, #tpu.memory_space<vmem>>, vector<1x16xf32>,
      %get3A_153 = vector.shape_cast %get3A_152 : vector<1x16xf32> to vector<16xf32>
      %max3A_154 = arith.maximumf %scan3A_138, %get3A_153 : vector<16xf32>
      %get3A_155 = arith.index_cast %add3A_146 : i32 to index
      %get3A_156 = arith.constant 32 : index
      %get3A_157 = tpu.vector_load %arg4[%get3A_155, %get3A_156] {strides = array<i32>} : memref<512x96xf32, #tpu.memory_space<vmem>>, vector<1x16xf32>,
      %get3A_158 = vector.shape_cast %get3A_157 : vector<1x16xf32> to vector<16xf32>
      %max3A_159 = arith.maximumf %scan3A_139, %get3A_158 : vector<16xf32>
      %get3A_160 = arith.index_cast %add3A_146 : i32 to index
      %get3A_161 = arith.constant 48 : index
      %get3A_162 = tpu.vector_load %arg4[%get3A_160, %get3A_161] {strides = array<i32>} : memref<512x96xf32, #tpu.memory_space<vmem>>, vector<1x16xf32>,
      %get3A_163 = vector.shape_cast %get3A_162 : vector<1x16xf32> to vector<16xf32>
      %max3A_164 = arith.maximumf %scan3A_140, %get3A_163 : vector<16xf32>
      %get3A_165 = arith.index_cast %add3A_146 : i32 to index
      %get3A_166 = arith.constant 64 : index
      %get3A_167 = tpu.vector_load %arg4[%get3A_165, %get3A_166] {strides = array<i32>} : memref<512x96xf32, #tpu.memory_space<vmem>>, vector<1x16xf32>,
      %get3A_168 = vector.shape_cast %get3A_167 : vector<1x16xf32> to vector<16xf32>
      %max3A_169 = arith.maximumf %scan3A_141, %get3A_168 : vector<16xf32>
      %get3A_170 = arith.index_cast %add3A_146 : i32 to index
      %get3A_171 = arith.constant 80 : index
      %get3A_172 = tpu.vector_load %arg4[%get3A_170, %get3A_171] {strides = array<i32>} : memref<512x96xf32, #tpu.memory_space<vmem>>, vector<1x16xf32>,
      %get3A_173 = vector.shape_cast %get3A_172 : vector<1x16xf32> to vector<16xf32>
      %max3A_174 = arith.maximumf %scan3A_142, %get3A_173 : vector<16xf32>
      %mul3A_175 = arith.constant 8 : i32
      %mul3A_176 = arith.muli %scan3A_136, %mul3A_175 : i32
      %add3A_177 = arith.constant 1 : i32
      %add3A_178 = arith.addi %mul3A_176, %add3A_177 : i32
      %get3A_179 = arith.index_cast %add3A_178 : i32 to index
      %get3A_180 = arith.constant 0 : index
      %get3A_181 = tpu.vector_load %arg4[%get3A_179, %get3A_180] {strides = array<i32>} : memref<512x96xf32, #tpu.memory_space<vmem>>, vector<1x16xf32>,
      %get3A_182 = vector.shape_cast %get3A_181 : vector<1x16xf32> to vector<16xf32>
      %max3A_183 = arith.maximumf %max3A, %get3A_182 : vector<16xf32>
      %get3A_184 = arith.index_cast %add3A_178 : i32 to index
      %get3A_185 = arith.constant 16 : index
      %get3A_186 = tpu.vector_load %arg4[%get3A_184, %get3A_185] {strides = array<i32>} : memref<512x96xf32, #tpu.memory_space<vmem>>, vector<1x16xf32>,
      %get3A_187 = vector.shape_cast %get3A_186 : vector<1x16xf32> to vector<16xf32>
      %max3A_188 = arith.maximumf %max3A_154, %get3A_187 : vector<16xf32>
      %get3A_189 = arith.index_cast %add3A_178 : i32 to index
      %get3A_190 = arith.constant 32 : index
      %get3A_191 = tpu.vector_load %arg4[%get3A_189, %get3A_190] {strides = array<i32>} : memref<512x96xf32, #tpu.memory_space<vmem>>, vector<1x16xf32>,
      %get3A_192 = vector.shape_cast %get3A_191 : vector<1x16xf32> to vector<16xf32>
      %max3A_193 = arith.maximumf %max3A_159, %get3A_192 : vector<16xf32>
      %get3A_194 = arith.index_cast %add3A_178 : i32 to index
      %get3A_195 = arith.constant 48 : index
      %get3A_196 = tpu.vector_load %arg4[%get3A_194, %get3A_195] {strides = array<i32>} : memref<512x96xf32, #tpu.memory_space<vmem>>, vector<1x16xf32>,
      %get3A_197 = vector.shape_cast %get3A_196 : vector<1x16xf32> to vector<16xf32>
      %max3A_198 = arith.maximumf %max3A_164, %get3A_197 : vector<16xf32>
      %get3A_199 = arith.index_cast %add3A_178 : i32 to index
      %get3A_200 = arith.constant 64 : index
      %get3A_201 = tpu.vector_load %arg4[%get3A_199, %get3A_200] {strides = array<i32>} : memref<512x96xf32, #tpu.memory_space<vmem>>, vector<1x16xf32>,
      %get3A_202 = vector.shape_cast %get3A_201 : vector<1x16xf32> to vector<16xf32>
      %max3A_203 = arith.maximumf %max3A_169, %get3A_202 : vector<16xf32>
      %get3A_204 = arith.index_cast %add3A_178 : i32 to index
      %get3A_205 = arith.constant 80 : index
      %get3A_206 = tpu.vector_load %arg4[%get3A_204, %get3A_205] {strides = array<i32>} : memref<512x96xf32, #tpu.memory_space<vmem>>, vector<1x16xf32>,
      %get3A_207 = vector.shape_cast %get3A_206 : vector<1x16xf32> to vector<16xf32>
      %max3A_208 = arith.maximumf %max3A_174, %get3A_207 : vector<16xf32>
      %mul3A_209 = arith.constant 8 : i32
      %mul3A_210 = arith.muli %scan3A_136, %mul3A_209 : i32
      %add3A_211 = arith.constant 2 : i32
      %add3A_212 = arith.addi %mul3A_210, %add3A_211 : i32
      %get3A_213 = arith.index_cast %add3A_212 : i32 to index
      %get3A_214 = arith.constant 0 : index
      %get3A_215 = tpu.vector_load %arg4[%get3A_213, %get3A_214] {strides = array<i32>} : memref<512x96xf32, #tpu.memory_space<vmem>>, vector<1x16xf32>,
      %get3A_216 = vector.shape_cast %get3A_215 : vector<1x16xf32> to vector<16xf32>
      %max3A_217 = arith.maximumf %max3A_183, %get3A_216 : vector<16xf32>
      %get3A_218 = arith.index_cast %add3A_212 : i32 to index
      %get3A_219 = arith.constant 16 : index
      %get3A_220 = tpu.vector_load %arg4[%get3A_218, %get3A_219] {strides = array<i32>} : memref<512x96xf32, #tpu.memory_space<vmem>>, vector<1x16xf32>,
      %get3A_221 = vector.shape_cast %get3A_220 : vector<1x16xf32> to vector<16xf32>
      %max3A_222 = arith.maximumf %max3A_188, %get3A_221 : vector<16xf32>
      %get3A_223 = arith.index_cast %add3A_212 : i32 to index
      %get3A_224 = arith.constant 32 : index
      %get3A_225 = tpu.vector_load %arg4[%get3A_223, %get3A_224] {strides = array<i32>} : memref<512x96xf32, #tpu.memory_space<vmem>>, vector<1x16xf32>,
      %get3A_226 = vector.shape_cast %get3A_225 : vector<1x16xf32> to vector<16xf32>
      %max3A_227 = arith.maximumf %max3A_193, %get3A_226 : vector<16xf32>
      %get3A_228 = arith.index_cast %add3A_212 : i32 to index
      %get3A_229 = arith.constant 48 : index
      %get3A_230 = tpu.vector_load %arg4[%get3A_228, %get3A_229] {strides = array<i32>} : memref<512x96xf32, #tpu.memory_space<vmem>>, vector<1x16xf32>,
      %get3A_231 = vector.shape_cast %get3A_230 : vector<1x16xf32> to vector<16xf32>
      %max3A_232 = arith.maximumf %max3A_198, %get3A_231 : vector<16xf32>
      %get3A_233 = arith.index_cast %add3A_212 : i32 to index
      %get3A_234 = arith.constant 64 : index
      %get3A_235 = tpu.vector_load %arg4[%get3A_233, %get3A_234] {strides = array<i32>} : memref<512x96xf32, #tpu.memory_space<vmem>>, vector<1x16xf32>,
      %get3A_236 = vector.shape_cast %get3A_235 : vector<1x16xf32> to vector<16xf32>
      %max3A_237 = arith.maximumf %max3A_203, %get3A_236 : vector<16xf32>
      %get3A_238 = arith.index_cast %add3A_212 : i32 to index
      %get3A_239 = arith.constant 80 : index
      %get3A_240 = tpu.vector_load %arg4[%get3A_238, %get3A_239] {strides = array<i32>} : memref<512x96xf32, #tpu.memory_space<vmem>>, vector<1x16xf32>,
      %get3A_241 = vector.shape_cast %get3A_240 : vector<1x16xf32> to vector<16xf32>
      %max3A_242 = arith.maximumf %max3A_208, %get3A_241 : vector<16xf32>
      %mul3A_243 = arith.constant 8 : i32
      %mul3A_244 = arith.muli %scan3A_136, %mul3A_243 : i32
      %add3A_245 = arith.constant 3 : i32
      %add3A_246 = arith.addi %mul3A_244, %add3A_245 : i32
      %get3A_247 = arith.index_cast %add3A_246 : i32 to index
      %get3A_248 = arith.constant 0 : index
      %get3A_249 = tpu.vector_load %arg4[%get3A_247, %get3A_248] {strides = array<i32>} : memref<512x96xf32, #tpu.memory_space<vmem>>, vector<1x16xf32>,
      %get3A_250 = vector.shape_cast %get3A_249 : vector<1x16xf32> to vector<16xf32>
      %max3A_251 = arith.maximumf %max3A_217, %get3A_250 : vector<16xf32>
      %get3A_252 = arith.index_cast %add3A_246 : i32 to index
      %get3A_253 = arith.constant 16 : index
      %get3A_254 = tpu.vector_load %arg4[%get3A_252, %get3A_253] {strides = array<i32>} : memref<512x96xf32, #tpu.memory_space<vmem>>, vector<1x16xf32>,
      %get3A_255 = vector.shape_cast %get3A_254 : vector<1x16xf32> to vector<16xf32>
      %max3A_256 = arith.maximumf %max3A_222, %get3A_255 : vector<16xf32>
      %get3A_257 = arith.index_cast %add3A_246 : i32 to index
      %get3A_258 = arith.constant 32 : index
      %get3A_259 = tpu.vector_load %arg4[%get3A_257, %get3A_258] {strides = array<i32>} : memref<512x96xf32, #tpu.memory_space<vmem>>, vector<1x16xf32>,
      %get3A_260 = vector.shape_cast %get3A_259 : vector<1x16xf32> to vector<16xf32>
      %max3A_261 = arith.maximumf %max3A_227, %get3A_260 : vector<16xf32>
      %get3A_262 = arith.index_cast %add3A_246 : i32 to index
      %get3A_263 = arith.constant 48 : index
      %get3A_264 = tpu.vector_load %arg4[%get3A_262, %get3A_263] {strides = array<i32>} : memref<512x96xf32, #tpu.memory_space<vmem>>, vector<1x16xf32>,
      %get3A_265 = vector.shape_cast %get3A_264 : vector<1x16xf32> to vector<16xf32>
      %max3A_266 = arith.maximumf %max3A_232, %get3A_265 : vector<16xf32>
      %get3A_267 = arith.index_cast %add3A_246 : i32 to index
      %get3A_268 = arith.constant 64 : index
      %get3A_269 = tpu.vector_load %arg4[%get3A_267, %get3A_268] {strides = array<i32>} : memref<512x96xf32, #tpu.memory_space<vmem>>, vector<1x16xf32>,
      %get3A_270 = vector.shape_cast %get3A_269 : vector<1x16xf32> to vector<16xf32>
      %max3A_271 = arith.maximumf %max3A_237, %get3A_270 : vector<16xf32>
      %get3A_272 = arith.index_cast %add3A_246 : i32 to index
      %get3A_273 = arith.constant 80 : index
      %get3A_274 = tpu.vector_load %arg4[%get3A_272, %get3A_273] {strides = array<i32>} : memref<512x96xf32, #tpu.memory_space<vmem>>, vector<1x16xf32>,
      %get3A_275 = vector.shape_cast %get3A_274 : vector<1x16xf32> to vector<16xf32>
      %max3A_276 = arith.maximumf %max3A_242, %get3A_275 : vector<16xf32>
      %mul3A_277 = arith.constant 8 : i32
      %mul3A_278 = arith.muli %scan3A_136, %mul3A_277 : i32
      %add3A_279 = arith.constant 4 : i32
      %add3A_280 = arith.addi %mul3A_278, %add3A_279 : i32
      %get3A_281 = arith.index_cast %add3A_280 : i32 to index
      %get3A_282 = arith.constant 0 : index
      %get3A_283 = tpu.vector_load %arg4[%get3A_281, %get3A_282] {strides = array<i32>} : memref<512x96xf32, #tpu.memory_space<vmem>>, vector<1x16xf32>,
      %get3A_284 = vector.shape_cast %get3A_283 : vector<1x16xf32> to vector<16xf32>
      %max3A_285 = arith.maximumf %max3A_251, %get3A_284 : vector<16xf32>
      %get3A_286 = arith.index_cast %add3A_280 : i32 to index
      %get3A_287 = arith.constant 16 : index
      %get3A_288 = tpu.vector_load %arg4[%get3A_286, %get3A_287] {strides = array<i32>} : memref<512x96xf32, #tpu.memory_space<vmem>>, vector<1x16xf32>,
      %get3A_289 = vector.shape_cast %get3A_288 : vector<1x16xf32> to vector<16xf32>
      %max3A_290 = arith.maximumf %max3A_256, %get3A_289 : vector<16xf32>
      %get3A_291 = arith.index_cast %add3A_280 : i32 to index
      %get3A_292 = arith.constant 32 : index
      %get3A_293 = tpu.vector_load %arg4[%get3A_291, %get3A_292] {strides = array<i32>} : memref<512x96xf32, #tpu.memory_space<vmem>>, vector<1x16xf32>,
      %get3A_294 = vector.shape_cast %get3A_293 : vector<1x16xf32> to vector<16xf32>
      %max3A_295 = arith.maximumf %max3A_261, %get3A_294 : vector<16xf32>
      %get3A_296 = arith.index_cast %add3A_280 : i32 to index
      %get3A_297 = arith.constant 48 : index
      %get3A_298 = tpu.vector_load %arg4[%get3A_296, %get3A_297] {strides = array<i32>} : memref<512x96xf32, #tpu.memory_space<vmem>>, vector<1x16xf32>,
      %get3A_299 = vector.shape_cast %get3A_298 : vector<1x16xf32> to vector<16xf32>
      %max3A_300 = arith.maximumf %max3A_266, %get3A_299 : vector<16xf32>
      %get3A_301 = arith.index_cast %add3A_280 : i32 to index
      %get3A_302 = arith.constant 64 : index
      %get3A_303 = tpu.vector_load %arg4[%get3A_301, %get3A_302] {strides = array<i32>} : memref<512x96xf32, #tpu.memory_space<vmem>>, vector<1x16xf32>,
      %get3A_304 = vector.shape_cast %get3A_303 : vector<1x16xf32> to vector<16xf32>
      %max3A_305 = arith.maximumf %max3A_271, %get3A_304 : vector<16xf32>
      %get3A_306 = arith.index_cast %add3A_280 : i32 to index
      %get3A_307 = arith.constant 80 : index
      %get3A_308 = tpu.vector_load %arg4[%get3A_306, %get3A_307] {strides = array<i32>} : memref<512x96xf32, #tpu.memory_space<vmem>>, vector<1x16xf32>,
      %get3A_309 = vector.shape_cast %get3A_308 : vector<1x16xf32> to vector<16xf32>
      %max3A_310 = arith.maximumf %max3A_276, %get3A_309 : vector<16xf32>
      %mul3A_311 = arith.constant 8 : i32
      %mul3A_312 = arith.muli %scan3A_136, %mul3A_311 : i32
      %add3A_313 = arith.constant 5 : i32
      %add3A_314 = arith.addi %mul3A_312, %add3A_313 : i32
      %get3A_315 = arith.index_cast %add3A_314 : i32 to index
      %get3A_316 = arith.constant 0 : index
      %get3A_317 = tpu.vector_load %arg4[%get3A_315, %get3A_316] {strides = array<i32>} : memref<512x96xf32, #tpu.memory_space<vmem>>, vector<1x16xf32>,
      %get3A_318 = vector.shape_cast %get3A_317 : vector<1x16xf32> to vector<16xf32>
      %max3A_319 = arith.maximumf %max3A_285, %get3A_318 : vector<16xf32>
      %get3A_320 = arith.index_cast %add3A_314 : i32 to index
      %get3A_321 = arith.constant 16 : index
      %get3A_322 = tpu.vector_load %arg4[%get3A_320, %get3A_321] {strides = array<i32>} : memref<512x96xf32, #tpu.memory_space<vmem>>, vector<1x16xf32>,
      %get3A_323 = vector.shape_cast %get3A_322 : vector<1x16xf32> to vector<16xf32>
      %max3A_324 = arith.maximumf %max3A_290, %get3A_323 : vector<16xf32>
      %get3A_325 = arith.index_cast %add3A_314 : i32 to index
      %get3A_326 = arith.constant 32 : index
      %get3A_327 = tpu.vector_load %arg4[%get3A_325, %get3A_326] {strides = array<i32>} : memref<512x96xf32, #tpu.memory_space<vmem>>, vector<1x16xf32>,
      %get3A_328 = vector.shape_cast %get3A_327 : vector<1x16xf32> to vector<16xf32>
      %max3A_329 = arith.maximumf %max3A_295, %get3A_328 : vector<16xf32>
      %get3A_330 = arith.index_cast %add3A_314 : i32 to index
      %get3A_331 = arith.constant 48 : index
      %get3A_332 = tpu.vector_load %arg4[%get3A_330, %get3A_331] {strides = array<i32>} : memref<512x96xf32, #tpu.memory_space<vmem>>, vector<1x16xf32>,
      %get3A_333 = vector.shape_cast %get3A_332 : vector<1x16xf32> to vector<16xf32>
      %max3A_334 = arith.maximumf %max3A_300, %get3A_333 : vector<16xf32>
      %get3A_335 = arith.index_cast %add3A_314 : i32 to index
      %get3A_336 = arith.constant 64 : index
      %get3A_337 = tpu.vector_load %arg4[%get3A_335, %get3A_336] {strides = array<i32>} : memref<512x96xf32, #tpu.memory_space<vmem>>, vector<1x16xf32>,
      %get3A_338 = vector.shape_cast %get3A_337 : vector<1x16xf32> to vector<16xf32>
      %max3A_339 = arith.maximumf %max3A_305, %get3A_338 : vector<16xf32>
      %get3A_340 = arith.index_cast %add3A_314 : i32 to index
      %get3A_341 = arith.constant 80 : index
      %get3A_342 = tpu.vector_load %arg4[%get3A_340, %get3A_341] {strides = array<i32>} : memref<512x96xf32, #tpu.memory_space<vmem>>, vector<1x16xf32>,
      %get3A_343 = vector.shape_cast %get3A_342 : vector<1x16xf32> to vector<16xf32>
      %max3A_344 = arith.maximumf %max3A_310, %get3A_343 : vector<16xf32>
      %mul3A_345 = arith.constant 8 : i32
      %mul3A_346 = arith.muli %scan3A_136, %mul3A_345 : i32
      %add3A_347 = arith.constant 6 : i32
      %add3A_348 = arith.addi %mul3A_346, %add3A_347 : i32
      %get3A_349 = arith.index_cast %add3A_348 : i32 to index
      %get3A_350 = arith.constant 0 : index
      %get3A_351 = tpu.vector_load %arg4[%get3A_349, %get3A_350] {strides = array<i32>} : memref<512x96xf32, #tpu.memory_space<vmem>>, vector<1x16xf32>,
      %get3A_352 = vector.shape_cast %get3A_351 : vector<1x16xf32> to vector<16xf32>
      %max3A_353 = arith.maximumf %max3A_319, %get3A_352 : vector<16xf32>
      %get3A_354 = arith.index_cast %add3A_348 : i32 to index
      %get3A_355 = arith.constant 16 : index
      %get3A_356 = tpu.vector_load %arg4[%get3A_354, %get3A_355] {strides = array<i32>} : memref<512x96xf32, #tpu.memory_space<vmem>>, vector<1x16xf32>,
      %get3A_357 = vector.shape_cast %get3A_356 : vector<1x16xf32> to vector<16xf32>
      %max3A_358 = arith.maximumf %max3A_324, %get3A_357 : vector<16xf32>
      %get3A_359 = arith.index_cast %add3A_348 : i32 to index
      %get3A_360 = arith.constant 32 : index
      %get3A_361 = tpu.vector_load %arg4[%get3A_359, %get3A_360] {strides = array<i32>} : memref<512x96xf32, #tpu.memory_space<vmem>>, vector<1x16xf32>,
      %get3A_362 = vector.shape_cast %get3A_361 : vector<1x16xf32> to vector<16xf32>
      %max3A_363 = arith.maximumf %max3A_329, %get3A_362 : vector<16xf32>
      %get3A_364 = arith.index_cast %add3A_348 : i32 to index
      %get3A_365 = arith.constant 48 : index
      %get3A_366 = tpu.vector_load %arg4[%get3A_364, %get3A_365] {strides = array<i32>} : memref<512x96xf32, #tpu.memory_space<vmem>>, vector<1x16xf32>,
      %get3A_367 = vector.shape_cast %get3A_366 : vector<1x16xf32> to vector<16xf32>
      %max3A_368 = arith.maximumf %max3A_334, %get3A_367 : vector<16xf32>
      %get3A_369 = arith.index_cast %add3A_348 : i32 to index
      %get3A_370 = arith.constant 64 : index
      %get3A_371 = tpu.vector_load %arg4[%get3A_369, %get3A_370] {strides = array<i32>} : memref<512x96xf32, #tpu.memory_space<vmem>>, vector<1x16xf32>,
      %get3A_372 = vector.shape_cast %get3A_371 : vector<1x16xf32> to vector<16xf32>
      %max3A_373 = arith.maximumf %max3A_339, %get3A_372 : vector<16xf32>
      %get3A_374 = arith.index_cast %add3A_348 : i32 to index
      %get3A_375 = arith.constant 80 : index
      %get3A_376 = tpu.vector_load %arg4[%get3A_374, %get3A_375] {strides = array<i32>} : memref<512x96xf32, #tpu.memory_space<vmem>>, vector<1x16xf32>,
      %get3A_377 = vector.shape_cast %get3A_376 : vector<1x16xf32> to vector<16xf32>
      %max3A_378 = arith.maximumf %max3A_344, %get3A_377 : vector<16xf32>
      %mul3A_379 = arith.constant 8 : i32
      %mul3A_380 = arith.muli %scan3A_136, %mul3A_379 : i32
      %add3A_381 = arith.constant 7 : i32
      %add3A_382 = arith.addi %mul3A_380, %add3A_381 : i32
      %get3A_383 = arith.index_cast %add3A_382 : i32 to index
      %get3A_384 = arith.constant 0 : index
      %get3A_385 = tpu.vector_load %arg4[%get3A_383, %get3A_384] {strides = array<i32>} : memref<512x96xf32, #tpu.memory_space<vmem>>, vector<1x16xf32>,
      %get3A_386 = vector.shape_cast %get3A_385 : vector<1x16xf32> to vector<16xf32>
      %max3A_387 = arith.maximumf %max3A_353, %get3A_386 : vector<16xf32>
      %get3A_388 = arith.index_cast %add3A_382 : i32 to index
      %get3A_389 = arith.constant 16 : index
      %get3A_390 = tpu.vector_load %arg4[%get3A_388, %get3A_389] {strides = array<i32>} : memref<512x96xf32, #tpu.memory_space<vmem>>, vector<1x16xf32>,
      %get3A_391 = vector.shape_cast %get3A_390 : vector<1x16xf32> to vector<16xf32>
      %max3A_392 = arith.maximumf %max3A_358, %get3A_391 : vector<16xf32>
      %get3A_393 = arith.index_cast %add3A_382 : i32 to index
      %get3A_394 = arith.constant 32 : index
      %get3A_395 = tpu.vector_load %arg4[%get3A_393, %get3A_394] {strides = array<i32>} : memref<512x96xf32, #tpu.memory_space<vmem>>, vector<1x16xf32>,
      %get3A_396 = vector.shape_cast %get3A_395 : vector<1x16xf32> to vector<16xf32>
      %max3A_397 = arith.maximumf %max3A_363, %get3A_396 : vector<16xf32>
      %get3A_398 = arith.index_cast %add3A_382 : i32 to index
      %get3A_399 = arith.constant 48 : index
      %get3A_400 = tpu.vector_load %arg4[%get3A_398, %get3A_399] {strides = array<i32>} : memref<512x96xf32, #tpu.memory_space<vmem>>, vector<1x16xf32>,
      %get3A_401 = vector.shape_cast %get3A_400 : vector<1x16xf32> to vector<16xf32>
      %max3A_402 = arith.maximumf %max3A_368, %get3A_401 : vector<16xf32>
      %get3A_403 = arith.index_cast %add3A_382 : i32 to index
      %get3A_404 = arith.constant 64 : index
      %get3A_405 = tpu.vector_load %arg4[%get3A_403, %get3A_404] {strides = array<i32>} : memref<512x96xf32, #tpu.memory_space<vmem>>, vector<1x16xf32>,
      %get3A_406 = vector.shape_cast %get3A_405 : vector<1x16xf32> to vector<16xf32>
      %max3A_407 = arith.maximumf %max3A_373, %get3A_406 : vector<16xf32>
      %get3A_408 = arith.index_cast %add3A_382 : i32 to index
      %get3A_409 = arith.constant 80 : index
      %get3A_410 = tpu.vector_load %arg4[%get3A_408, %get3A_409] {strides = array<i32>} : memref<512x96xf32, #tpu.memory_space<vmem>>, vector<1x16xf32>,
      %get3A_411 = vector.shape_cast %get3A_410 : vector<1x16xf32> to vector<16xf32>
      %max3A_412 = arith.maximumf %max3A_378, %get3A_411 : vector<16xf32>
      scf.yield %max3A_387, %max3A_392, %max3A_397, %max3A_402, %max3A_407, %max3A_412 : vector<16xf32>, vector<16xf32>, vector<16xf32>, vector<16xf32>, vector<16xf32>, vector<16xf32>
    }
    %scan3A_64 = arith.constant 64 : i32
    %dma_start3A_65 = arith.constant 1024 : i32
    %dma_start3A_66 = tpu.memref_slice %arg2[%select_n3A, %dma_start3A_65, %mul3A_32] : memref<4x2048x768xf32, #tpu.memory_space<hbm>> -> memref<1x512x96xf32, #tpu.memory_space<hbm>>
    %dma_start3A_67 = tpu.memref_squeeze %dma_start3A_66 : memref<1x512x96xf32, #tpu.memory_space<hbm>> -> memref<512x96xf32, #tpu.memory_space<hbm>>
    %dma_start3A_68 = arith.constant 1024 : i32
    %dma_start3A_69 = tpu.memref_slice %arg2[%select_n3A, %dma_start3A_68, %mul3A_32] : memref<4x2048x768xf32, #tpu.memory_space<hbm>> -> memref<1x512x96xf32, #tpu.memory_space<hbm>>
    %dma_start3A_70 = tpu.memref_squeeze %dma_start3A_69 : memref<1x512x96xf32, #tpu.memory_space<hbm>> -> memref<512x96xf32, #tpu.memory_space<hbm>>
    tpu.enqueue_dma source(%dma_start3A_70 : memref<512x96xf32, #tpu.memory_space<hbm>>) target(%arg4 : memref<512x96xf32, #tpu.memory_space<vmem>>) target_semaphore(%arg7 : memref<!tpu.dma_semaphore, #tpu.memory_space<semaphore_mem>>)
    %dma_wait3A_71 = arith.constant 512 : i32
    %dma_wait3A_72 = tpu.memref_slice %arg2[%select_n3A, %dma_wait3A_71, %mul3A_32] : memref<4x2048x768xf32, #tpu.memory_space<hbm>> -> memref<1x512x96xf32, #tpu.memory_space<hbm>>
    %dma_wait3A_73 = tpu.memref_squeeze %dma_wait3A_72 : memref<1x512x96xf32, #tpu.memory_space<hbm>> -> memref<512x96xf32, #tpu.memory_space<hbm>>
    %dma_wait3A_74 = arith.constant 512 : i32
    %dma_wait3A_75 = tpu.memref_slice %arg2[%select_n3A, %dma_wait3A_74, %mul3A_32] : memref<4x2048x768xf32, #tpu.memory_space<hbm>> -> memref<1x512x96xf32, #tpu.memory_space<hbm>>
    %dma_wait3A_76 = tpu.memref_squeeze %dma_wait3A_75 : memref<1x512x96xf32, #tpu.memory_space<hbm>> -> memref<512x96xf32, #tpu.memory_space<hbm>>
    tpu.wait_dma2 semaphore(%arg8 : memref<!tpu.dma_semaphore, #tpu.memory_space<semaphore_mem>>) src(%dma_wait3A_76 : memref<512x96xf32, #tpu.memory_space<hbm>>) dst(%arg5 : memref<512x96xf32, #tpu.memory_space<vmem>>)
    %scan3A_77 = arith.constant 0 : i32
    %scan3A_78 = arith.constant 64 : i32
    %scan3A_79 = arith.addi %scan3A_77, %scan3A_78 : i32
    %scan3A_80 = arith.constant 1 : i32
    %scan3A_81:6 = scf.for %scan3A_136 = %scan3A_77 to %scan3A_79 step %scan3A_80 iter_args(%scan3A_137 = %scan3A_63#0, %scan3A_138 = %scan3A_63#1, %scan3A_139 = %scan3A_63#2, %scan3A_140 = %scan3A_63#3, %scan3A_141 = %scan3A_63#4, %scan3A_142 = %scan3A_63#5) -> (vector<16xf32>, vector<16xf32>, vector<16xf32>, vector<16xf32>, vector<16xf32>, vector<16xf32>)  : i32 {
      %mul3A_143 = arith.constant 8 : i32
      %mul3A_144 = arith.muli %scan3A_136, %mul3A_143 : i32
      %add3A_145 = arith.constant 0 : i32
      %add3A_146 = arith.addi %mul3A_144, %add3A_145 : i32
      %get3A = arith.index_cast %add3A_146 : i32 to index
      %get3A_147 = arith.constant 0 : index
      %get3A_148 = tpu.vector_load %arg5[%get3A, %get3A_147] {strides = array<i32>} : memref<512x96xf32, #tpu.memory_space<vmem>>, vector<1x16xf32>,
      %get3A_149 = vector.shape_cast %get3A_148 : vector<1x16xf32> to vector<16xf32>
      %max3A = arith.maximumf %scan3A_137, %get3A_149 : vector<16xf32>
      %get3A_150 = arith.index_cast %add3A_146 : i32 to index
      %get3A_151 = arith.constant 16 : index
      %get3A_152 = tpu.vector_load %arg5[%get3A_150, %get3A_151] {strides = array<i32>} : memref<512x96xf32, #tpu.memory_space<vmem>>, vector<1x16xf32>,
      %get3A_153 = vector.shape_cast %get3A_152 : vector<1x16xf32> to vector<16xf32>
      %max3A_154 = arith.maximumf %scan3A_138, %get3A_153 : vector<16xf32>
      %get3A_155 = arith.index_cast %add3A_146 : i32 to index
      %get3A_156 = arith.constant 32 : index
      %get3A_157 = tpu.vector_load %arg5[%get3A_155, %get3A_156] {strides = array<i32>} : memref<512x96xf32, #tpu.memory_space<vmem>>, vector<1x16xf32>,
      %get3A_158 = vector.shape_cast %get3A_157 : vector<1x16xf32> to vector<16xf32>
      %max3A_159 = arith.maximumf %scan3A_139, %get3A_158 : vector<16xf32>
      %get3A_160 = arith.index_cast %add3A_146 : i32 to index
      %get3A_161 = arith.constant 48 : index
      %get3A_162 = tpu.vector_load %arg5[%get3A_160, %get3A_161] {strides = array<i32>} : memref<512x96xf32, #tpu.memory_space<vmem>>, vector<1x16xf32>,
      %get3A_163 = vector.shape_cast %get3A_162 : vector<1x16xf32> to vector<16xf32>
      %max3A_164 = arith.maximumf %scan3A_140, %get3A_163 : vector<16xf32>
      %get3A_165 = arith.index_cast %add3A_146 : i32 to index
      %get3A_166 = arith.constant 64 : index
      %get3A_167 = tpu.vector_load %arg5[%get3A_165, %get3A_166] {strides = array<i32>} : memref<512x96xf32, #tpu.memory_space<vmem>>, vector<1x16xf32>,
      %get3A_168 = vector.shape_cast %get3A_167 : vector<1x16xf32> to vector<16xf32>
      %max3A_169 = arith.maximumf %scan3A_141, %get3A_168 : vector<16xf32>
      %get3A_170 = arith.index_cast %add3A_146 : i32 to index
      %get3A_171 = arith.constant 80 : index
      %get3A_172 = tpu.vector_load %arg5[%get3A_170, %get3A_171] {strides = array<i32>} : memref<512x96xf32, #tpu.memory_space<vmem>>, vector<1x16xf32>,
      %get3A_173 = vector.shape_cast %get3A_172 : vector<1x16xf32> to vector<16xf32>
      %max3A_174 = arith.maximumf %scan3A_142, %get3A_173 : vector<16xf32>
      %mul3A_175 = arith.constant 8 : i32
      %mul3A_176 = arith.muli %scan3A_136, %mul3A_175 : i32
      %add3A_177 = arith.constant 1 : i32
      %add3A_178 = arith.addi %mul3A_176, %add3A_177 : i32
      %get3A_179 = arith.index_cast %add3A_178 : i32 to index
      %get3A_180 = arith.constant 0 : index
      %get3A_181 = tpu.vector_load %arg5[%get3A_179, %get3A_180] {strides = array<i32>} : memref<512x96xf32, #tpu.memory_space<vmem>>, vector<1x16xf32>,
      %get3A_182 = vector.shape_cast %get3A_181 : vector<1x16xf32> to vector<16xf32>
      %max3A_183 = arith.maximumf %max3A, %get3A_182 : vector<16xf32>
      %get3A_184 = arith.index_cast %add3A_178 : i32 to index
      %get3A_185 = arith.constant 16 : index
      %get3A_186 = tpu.vector_load %arg5[%get3A_184, %get3A_185] {strides = array<i32>} : memref<512x96xf32, #tpu.memory_space<vmem>>, vector<1x16xf32>,
      %get3A_187 = vector.shape_cast %get3A_186 : vector<1x16xf32> to vector<16xf32>
      %max3A_188 = arith.maximumf %max3A_154, %get3A_187 : vector<16xf32>
      %get3A_189 = arith.index_cast %add3A_178 : i32 to index
      %get3A_190 = arith.constant 32 : index
      %get3A_191 = tpu.vector_load %arg5[%get3A_189, %get3A_190] {strides = array<i32>} : memref<512x96xf32, #tpu.memory_space<vmem>>, vector<1x16xf32>,
      %get3A_192 = vector.shape_cast %get3A_191 : vector<1x16xf32> to vector<16xf32>
      %max3A_193 = arith.maximumf %max3A_159, %get3A_192 : vector<16xf32>
      %get3A_194 = arith.index_cast %add3A_178 : i32 to index
      %get3A_195 = arith.constant 48 : index
      %get3A_196 = tpu.vector_load %arg5[%get3A_194, %get3A_195] {strides = array<i32>} : memref<512x96xf32, #tpu.memory_space<vmem>>, vector<1x16xf32>,
      %get3A_197 = vector.shape_cast %get3A_196 : vector<1x16xf32> to vector<16xf32>
      %max3A_198 = arith.maximumf %max3A_164, %get3A_197 : vector<16xf32>
      %get3A_199 = arith.index_cast %add3A_178 : i32 to index
      %get3A_200 = arith.constant 64 : index
      %get3A_201 = tpu.vector_load %arg5[%get3A_199, %get3A_200] {strides = array<i32>} : memref<512x96xf32, #tpu.memory_space<vmem>>, vector<1x16xf32>,
      %get3A_202 = vector.shape_cast %get3A_201 : vector<1x16xf32> to vector<16xf32>
      %max3A_203 = arith.maximumf %max3A_169, %get3A_202 : vector<16xf32>
      %get3A_204 = arith.index_cast %add3A_178 : i32 to index
      %get3A_205 = arith.constant 80 : index
      %get3A_206 = tpu.vector_load %arg5[%get3A_204, %get3A_205] {strides = array<i32>} : memref<512x96xf32, #tpu.memory_space<vmem>>, vector<1x16xf32>,
      %get3A_207 = vector.shape_cast %get3A_206 : vector<1x16xf32> to vector<16xf32>
      %max3A_208 = arith.maximumf %max3A_174, %get3A_207 : vector<16xf32>
      %mul3A_209 = arith.constant 8 : i32
      %mul3A_210 = arith.muli %scan3A_136, %mul3A_209 : i32
      %add3A_211 = arith.constant 2 : i32
      %add3A_212 = arith.addi %mul3A_210, %add3A_211 : i32
      %get3A_213 = arith.index_cast %add3A_212 : i32 to index
      %get3A_214 = arith.constant 0 : index
      %get3A_215 = tpu.vector_load %arg5[%get3A_213, %get3A_214] {strides = array<i32>} : memref<512x96xf32, #tpu.memory_space<vmem>>, vector<1x16xf32>,
      %get3A_216 = vector.shape_cast %get3A_215 : vector<1x16xf32> to vector<16xf32>
      %max3A_217 = arith.maximumf %max3A_183, %get3A_216 : vector<16xf32>
      %get3A_218 = arith.index_cast %add3A_212 : i32 to index
      %get3A_219 = arith.constant 16 : index
      %get3A_220 = tpu.vector_load %arg5[%get3A_218, %get3A_219] {strides = array<i32>} : memref<512x96xf32, #tpu.memory_space<vmem>>, vector<1x16xf32>,
      %get3A_221 = vector.shape_cast %get3A_220 : vector<1x16xf32> to vector<16xf32>
      %max3A_222 = arith.maximumf %max3A_188, %get3A_221 : vector<16xf32>
      %get3A_223 = arith.index_cast %add3A_212 : i32 to index
      %get3A_224 = arith.constant 32 : index
      %get3A_225 = tpu.vector_load %arg5[%get3A_223, %get3A_224] {strides = array<i32>} : memref<512x96xf32, #tpu.memory_space<vmem>>, vector<1x16xf32>,
      %get3A_226 = vector.shape_cast %get3A_225 : vector<1x16xf32> to vector<16xf32>
      %max3A_227 = arith.maximumf %max3A_193, %get3A_226 : vector<16xf32>
      %get3A_228 = arith.index_cast %add3A_212 : i32 to index
      %get3A_229 = arith.constant 48 : index
      %get3A_230 = tpu.vector_load %arg5[%get3A_228, %get3A_229] {strides = array<i32>} : memref<512x96xf32, #tpu.memory_space<vmem>>, vector<1x16xf32>,
      %get3A_231 = vector.shape_cast %get3A_230 : vector<1x16xf32> to vector<16xf32>
      %max3A_232 = arith.maximumf %max3A_198, %get3A_231 : vector<16xf32>
      %get3A_233 = arith.index_cast %add3A_212 : i32 to index
      %get3A_234 = arith.constant 64 : index
      %get3A_235 = tpu.vector_load %arg5[%get3A_233, %get3A_234] {strides = array<i32>} : memref<512x96xf32, #tpu.memory_space<vmem>>, vector<1x16xf32>,
      %get3A_236 = vector.shape_cast %get3A_235 : vector<1x16xf32> to vector<16xf32>
      %max3A_237 = arith.maximumf %max3A_203, %get3A_236 : vector<16xf32>
      %get3A_238 = arith.index_cast %add3A_212 : i32 to index
      %get3A_239 = arith.constant 80 : index
      %get3A_240 = tpu.vector_load %arg5[%get3A_238, %get3A_239] {strides = array<i32>} : memref<512x96xf32, #tpu.memory_space<vmem>>, vector<1x16xf32>,
      %get3A_241 = vector.shape_cast %get3A_240 : vector<1x16xf32> to vector<16xf32>
      %max3A_242 = arith.maximumf %max3A_208, %get3A_241 : vector<16xf32>
      %mul3A_243 = arith.constant 8 : i32
      %mul3A_244 = arith.muli %scan3A_136, %mul3A_243 : i32
      %add3A_245 = arith.constant 3 : i32
      %add3A_246 = arith.addi %mul3A_244, %add3A_245 : i32
      %get3A_247 = arith.index_cast %add3A_246 : i32 to index
      %get3A_248 = arith.constant 0 : index
      %get3A_249 = tpu.vector_load %arg5[%get3A_247, %get3A_248] {strides = array<i32>} : memref<512x96xf32, #tpu.memory_space<vmem>>, vector<1x16xf32>,
      %get3A_250 = vector.shape_cast %get3A_249 : vector<1x16xf32> to vector<16xf32>
      %max3A_251 = arith.maximumf %max3A_217, %get3A_250 : vector<16xf32>
      %get3A_252 = arith.index_cast %add3A_246 : i32 to index
      %get3A_253 = arith.constant 16 : index
      %get3A_254 = tpu.vector_load %arg5[%get3A_252, %get3A_253] {strides = array<i32>} : memref<512x96xf32, #tpu.memory_space<vmem>>, vector<1x16xf32>,
      %get3A_255 = vector.shape_cast %get3A_254 : vector<1x16xf32> to vector<16xf32>
      %max3A_256 = arith.maximumf %max3A_222, %get3A_255 : vector<16xf32>
      %get3A_257 = arith.index_cast %add3A_246 : i32 to index
      %get3A_258 = arith.constant 32 : index
      %get3A_259 = tpu.vector_load %arg5[%get3A_257, %get3A_258] {strides = array<i32>} : memref<512x96xf32, #tpu.memory_space<vmem>>, vector<1x16xf32>,
      %get3A_260 = vector.shape_cast %get3A_259 : vector<1x16xf32> to vector<16xf32>
      %max3A_261 = arith.maximumf %max3A_227, %get3A_260 : vector<16xf32>
      %get3A_262 = arith.index_cast %add3A_246 : i32 to index
      %get3A_263 = arith.constant 48 : index
      %get3A_264 = tpu.vector_load %arg5[%get3A_262, %get3A_263] {strides = array<i32>} : memref<512x96xf32, #tpu.memory_space<vmem>>, vector<1x16xf32>,
      %get3A_265 = vector.shape_cast %get3A_264 : vector<1x16xf32> to vector<16xf32>
      %max3A_266 = arith.maximumf %max3A_232, %get3A_265 : vector<16xf32>
      %get3A_267 = arith.index_cast %add3A_246 : i32 to index
      %get3A_268 = arith.constant 64 : index
      %get3A_269 = tpu.vector_load %arg5[%get3A_267, %get3A_268] {strides = array<i32>} : memref<512x96xf32, #tpu.memory_space<vmem>>, vector<1x16xf32>,
      %get3A_270 = vector.shape_cast %get3A_269 : vector<1x16xf32> to vector<16xf32>
      %max3A_271 = arith.maximumf %max3A_237, %get3A_270 : vector<16xf32>
      %get3A_272 = arith.index_cast %add3A_246 : i32 to index
      %get3A_273 = arith.constant 80 : index
      %get3A_274 = tpu.vector_load %arg5[%get3A_272, %get3A_273] {strides = array<i32>} : memref<512x96xf32, #tpu.memory_space<vmem>>, vector<1x16xf32>,
      %get3A_275 = vector.shape_cast %get3A_274 : vector<1x16xf32> to vector<16xf32>
      %max3A_276 = arith.maximumf %max3A_242, %get3A_275 : vector<16xf32>
      %mul3A_277 = arith.constant 8 : i32
      %mul3A_278 = arith.muli %scan3A_136, %mul3A_277 : i32
      %add3A_279 = arith.constant 4 : i32
      %add3A_280 = arith.addi %mul3A_278, %add3A_279 : i32
      %get3A_281 = arith.index_cast %add3A_280 : i32 to index
      %get3A_282 = arith.constant 0 : index
      %get3A_283 = tpu.vector_load %arg5[%get3A_281, %get3A_282] {strides = array<i32>} : memref<512x96xf32, #tpu.memory_space<vmem>>, vector<1x16xf32>,
      %get3A_284 = vector.shape_cast %get3A_283 : vector<1x16xf32> to vector<16xf32>
      %max3A_285 = arith.maximumf %max3A_251, %get3A_284 : vector<16xf32>
      %get3A_286 = arith.index_cast %add3A_280 : i32 to index
      %get3A_287 = arith.constant 16 : index
      %get3A_288 = tpu.vector_load %arg5[%get3A_286, %get3A_287] {strides = array<i32>} : memref<512x96xf32, #tpu.memory_space<vmem>>, vector<1x16xf32>,
      %get3A_289 = vector.shape_cast %get3A_288 : vector<1x16xf32> to vector<16xf32>
      %max3A_290 = arith.maximumf %max3A_256, %get3A_289 : vector<16xf32>
      %get3A_291 = arith.index_cast %add3A_280 : i32 to index
      %get3A_292 = arith.constant 32 : index
      %get3A_293 = tpu.vector_load %arg5[%get3A_291, %get3A_292] {strides = array<i32>} : memref<512x96xf32, #tpu.memory_space<vmem>>, vector<1x16xf32>,
      %get3A_294 = vector.shape_cast %get3A_293 : vector<1x16xf32> to vector<16xf32>
      %max3A_295 = arith.maximumf %max3A_261, %get3A_294 : vector<16xf32>
      %get3A_296 = arith.index_cast %add3A_280 : i32 to index
      %get3A_297 = arith.constant 48 : index
      %get3A_298 = tpu.vector_load %arg5[%get3A_296, %get3A_297] {strides = array<i32>} : memref<512x96xf32, #tpu.memory_space<vmem>>, vector<1x16xf32>,
      %get3A_299 = vector.shape_cast %get3A_298 : vector<1x16xf32> to vector<16xf32>
      %max3A_300 = arith.maximumf %max3A_266, %get3A_299 : vector<16xf32>
      %get3A_301 = arith.index_cast %add3A_280 : i32 to index
      %get3A_302 = arith.constant 64 : index
      %get3A_303 = tpu.vector_load %arg5[%get3A_301, %get3A_302] {strides = array<i32>} : memref<512x96xf32, #tpu.memory_space<vmem>>, vector<1x16xf32>,
      %get3A_304 = vector.shape_cast %get3A_303 : vector<1x16xf32> to vector<16xf32>
      %max3A_305 = arith.maximumf %max3A_271, %get3A_304 : vector<16xf32>
      %get3A_306 = arith.index_cast %add3A_280 : i32 to index
      %get3A_307 = arith.constant 80 : index
      %get3A_308 = tpu.vector_load %arg5[%get3A_306, %get3A_307] {strides = array<i32>} : memref<512x96xf32, #tpu.memory_space<vmem>>, vector<1x16xf32>,
      %get3A_309 = vector.shape_cast %get3A_308 : vector<1x16xf32> to vector<16xf32>
      %max3A_310 = arith.maximumf %max3A_276, %get3A_309 : vector<16xf32>
      %mul3A_311 = arith.constant 8 : i32
      %mul3A_312 = arith.muli %scan3A_136, %mul3A_311 : i32
      %add3A_313 = arith.constant 5 : i32
      %add3A_314 = arith.addi %mul3A_312, %add3A_313 : i32
      %get3A_315 = arith.index_cast %add3A_314 : i32 to index
      %get3A_316 = arith.constant 0 : index
      %get3A_317 = tpu.vector_load %arg5[%get3A_315, %get3A_316] {strides = array<i32>} : memref<512x96xf32, #tpu.memory_space<vmem>>, vector<1x16xf32>,
      %get3A_318 = vector.shape_cast %get3A_317 : vector<1x16xf32> to vector<16xf32>
      %max3A_319 = arith.maximumf %max3A_285, %get3A_318 : vector<16xf32>
      %get3A_320 = arith.index_cast %add3A_314 : i32 to index
      %get3A_321 = arith.constant 16 : index
      %get3A_322 = tpu.vector_load %arg5[%get3A_320, %get3A_321] {strides = array<i32>} : memref<512x96xf32, #tpu.memory_space<vmem>>, vector<1x16xf32>,
      %get3A_323 = vector.shape_cast %get3A_322 : vector<1x16xf32> to vector<16xf32>
      %max3A_324 = arith.maximumf %max3A_290, %get3A_323 : vector<16xf32>
      %get3A_325 = arith.index_cast %add3A_314 : i32 to index
      %get3A_326 = arith.constant 32 : index
      %get3A_327 = tpu.vector_load %arg5[%get3A_325, %get3A_326] {strides = array<i32>} : memref<512x96xf32, #tpu.memory_space<vmem>>, vector<1x16xf32>,
      %get3A_328 = vector.shape_cast %get3A_327 : vector<1x16xf32> to vector<16xf32>
      %max3A_329 = arith.maximumf %max3A_295, %get3A_328 : vector<16xf32>
      %get3A_330 = arith.index_cast %add3A_314 : i32 to index
      %get3A_331 = arith.constant 48 : index
      %get3A_332 = tpu.vector_load %arg5[%get3A_330, %get3A_331] {strides = array<i32>} : memref<512x96xf32, #tpu.memory_space<vmem>>, vector<1x16xf32>,
      %get3A_333 = vector.shape_cast %get3A_332 : vector<1x16xf32> to vector<16xf32>
      %max3A_334 = arith.maximumf %max3A_300, %get3A_333 : vector<16xf32>
      %get3A_335 = arith.index_cast %add3A_314 : i32 to index
      %get3A_336 = arith.constant 64 : index
      %get3A_337 = tpu.vector_load %arg5[%get3A_335, %get3A_336] {strides = array<i32>} : memref<512x96xf32, #tpu.memory_space<vmem>>, vector<1x16xf32>,
      %get3A_338 = vector.shape_cast %get3A_337 : vector<1x16xf32> to vector<16xf32>
      %max3A_339 = arith.maximumf %max3A_305, %get3A_338 : vector<16xf32>
      %get3A_340 = arith.index_cast %add3A_314 : i32 to index
      %get3A_341 = arith.constant 80 : index
      %get3A_342 = tpu.vector_load %arg5[%get3A_340, %get3A_341] {strides = array<i32>} : memref<512x96xf32, #tpu.memory_space<vmem>>, vector<1x16xf32>,
      %get3A_343 = vector.shape_cast %get3A_342 : vector<1x16xf32> to vector<16xf32>
      %max3A_344 = arith.maximumf %max3A_310, %get3A_343 : vector<16xf32>
      %mul3A_345 = arith.constant 8 : i32
      %mul3A_346 = arith.muli %scan3A_136, %mul3A_345 : i32
      %add3A_347 = arith.constant 6 : i32
      %add3A_348 = arith.addi %mul3A_346, %add3A_347 : i32
      %get3A_349 = arith.index_cast %add3A_348 : i32 to index
      %get3A_350 = arith.constant 0 : index
      %get3A_351 = tpu.vector_load %arg5[%get3A_349, %get3A_350] {strides = array<i32>} : memref<512x96xf32, #tpu.memory_space<vmem>>, vector<1x16xf32>,
      %get3A_352 = vector.shape_cast %get3A_351 : vector<1x16xf32> to vector<16xf32>
      %max3A_353 = arith.maximumf %max3A_319, %get3A_352 : vector<16xf32>
      %get3A_354 = arith.index_cast %add3A_348 : i32 to index
      %get3A_355 = arith.constant 16 : index
      %get3A_356 = tpu.vector_load %arg5[%get3A_354, %get3A_355] {strides = array<i32>} : memref<512x96xf32, #tpu.memory_space<vmem>>, vector<1x16xf32>,
      %get3A_357 = vector.shape_cast %get3A_356 : vector<1x16xf32> to vector<16xf32>
      %max3A_358 = arith.maximumf %max3A_324, %get3A_357 : vector<16xf32>
      %get3A_359 = arith.index_cast %add3A_348 : i32 to index
      %get3A_360 = arith.constant 32 : index
      %get3A_361 = tpu.vector_load %arg5[%get3A_359, %get3A_360] {strides = array<i32>} : memref<512x96xf32, #tpu.memory_space<vmem>>, vector<1x16xf32>,
      %get3A_362 = vector.shape_cast %get3A_361 : vector<1x16xf32> to vector<16xf32>
      %max3A_363 = arith.maximumf %max3A_329, %get3A_362 : vector<16xf32>
      %get3A_364 = arith.index_cast %add3A_348 : i32 to index
      %get3A_365 = arith.constant 48 : index
      %get3A_366 = tpu.vector_load %arg5[%get3A_364, %get3A_365] {strides = array<i32>} : memref<512x96xf32, #tpu.memory_space<vmem>>, vector<1x16xf32>,
      %get3A_367 = vector.shape_cast %get3A_366 : vector<1x16xf32> to vector<16xf32>
      %max3A_368 = arith.maximumf %max3A_334, %get3A_367 : vector<16xf32>
      %get3A_369 = arith.index_cast %add3A_348 : i32 to index
      %get3A_370 = arith.constant 64 : index
      %get3A_371 = tpu.vector_load %arg5[%get3A_369, %get3A_370] {strides = array<i32>} : memref<512x96xf32, #tpu.memory_space<vmem>>, vector<1x16xf32>,
      %get3A_372 = vector.shape_cast %get3A_371 : vector<1x16xf32> to vector<16xf32>
      %max3A_373 = arith.maximumf %max3A_339, %get3A_372 : vector<16xf32>
      %get3A_374 = arith.index_cast %add3A_348 : i32 to index
      %get3A_375 = arith.constant 80 : index
      %get3A_376 = tpu.vector_load %arg5[%get3A_374, %get3A_375] {strides = array<i32>} : memref<512x96xf32, #tpu.memory_space<vmem>>, vector<1x16xf32>,
      %get3A_377 = vector.shape_cast %get3A_376 : vector<1x16xf32> to vector<16xf32>
      %max3A_378 = arith.maximumf %max3A_344, %get3A_377 : vector<16xf32>
      %mul3A_379 = arith.constant 8 : i32
      %mul3A_380 = arith.muli %scan3A_136, %mul3A_379 : i32
      %add3A_381 = arith.constant 7 : i32
      %add3A_382 = arith.addi %mul3A_380, %add3A_381 : i32
      %get3A_383 = arith.index_cast %add3A_382 : i32 to index
      %get3A_384 = arith.constant 0 : index
      %get3A_385 = tpu.vector_load %arg5[%get3A_383, %get3A_384] {strides = array<i32>} : memref<512x96xf32, #tpu.memory_space<vmem>>, vector<1x16xf32>,
      %get3A_386 = vector.shape_cast %get3A_385 : vector<1x16xf32> to vector<16xf32>
      %max3A_387 = arith.maximumf %max3A_353, %get3A_386 : vector<16xf32>
      %get3A_388 = arith.index_cast %add3A_382 : i32 to index
      %get3A_389 = arith.constant 16 : index
      %get3A_390 = tpu.vector_load %arg5[%get3A_388, %get3A_389] {strides = array<i32>} : memref<512x96xf32, #tpu.memory_space<vmem>>, vector<1x16xf32>,
      %get3A_391 = vector.shape_cast %get3A_390 : vector<1x16xf32> to vector<16xf32>
      %max3A_392 = arith.maximumf %max3A_358, %get3A_391 : vector<16xf32>
      %get3A_393 = arith.index_cast %add3A_382 : i32 to index
      %get3A_394 = arith.constant 32 : index
      %get3A_395 = tpu.vector_load %arg5[%get3A_393, %get3A_394] {strides = array<i32>} : memref<512x96xf32, #tpu.memory_space<vmem>>, vector<1x16xf32>,
      %get3A_396 = vector.shape_cast %get3A_395 : vector<1x16xf32> to vector<16xf32>
      %max3A_397 = arith.maximumf %max3A_363, %get3A_396 : vector<16xf32>
      %get3A_398 = arith.index_cast %add3A_382 : i32 to index
      %get3A_399 = arith.constant 48 : index
      %get3A_400 = tpu.vector_load %arg5[%get3A_398, %get3A_399] {strides = array<i32>} : memref<512x96xf32, #tpu.memory_space<vmem>>, vector<1x16xf32>,
      %get3A_401 = vector.shape_cast %get3A_400 : vector<1x16xf32> to vector<16xf32>
      %max3A_402 = arith.maximumf %max3A_368, %get3A_401 : vector<16xf32>
      %get3A_403 = arith.index_cast %add3A_382 : i32 to index
      %get3A_404 = arith.constant 64 : index
      %get3A_405 = tpu.vector_load %arg5[%get3A_403, %get3A_404] {strides = array<i32>} : memref<512x96xf32, #tpu.memory_space<vmem>>, vector<1x16xf32>,
      %get3A_406 = vector.shape_cast %get3A_405 : vector<1x16xf32> to vector<16xf32>
      %max3A_407 = arith.maximumf %max3A_373, %get3A_406 : vector<16xf32>
      %get3A_408 = arith.index_cast %add3A_382 : i32 to index
      %get3A_409 = arith.constant 80 : index
      %get3A_410 = tpu.vector_load %arg5[%get3A_408, %get3A_409] {strides = array<i32>} : memref<512x96xf32, #tpu.memory_space<vmem>>, vector<1x16xf32>,
      %get3A_411 = vector.shape_cast %get3A_410 : vector<1x16xf32> to vector<16xf32>
      %max3A_412 = arith.maximumf %max3A_378, %get3A_411 : vector<16xf32>
      scf.yield %max3A_387, %max3A_392, %max3A_397, %max3A_402, %max3A_407, %max3A_412 : vector<16xf32>, vector<16xf32>, vector<16xf32>, vector<16xf32>, vector<16xf32>, vector<16xf32>
    }
    %scan3A_82 = arith.constant 64 : i32
    %dma_start3A_83 = arith.constant 1536 : i32
    %dma_start3A_84 = tpu.memref_slice %arg2[%select_n3A, %dma_start3A_83, %mul3A_32] : memref<4x2048x768xf32, #tpu.memory_space<hbm>> -> memref<1x512x96xf32, #tpu.memory_space<hbm>>
    %dma_start3A_85 = tpu.memref_squeeze %dma_start3A_84 : memref<1x512x96xf32, #tpu.memory_space<hbm>> -> memref<512x96xf32, #tpu.memory_space<hbm>>
    %dma_start3A_86 = arith.constant 1536 : i32
    %dma_start3A_87 = tpu.memref_slice %arg2[%select_n3A, %dma_start3A_86, %mul3A_32] : memref<4x2048x768xf32, #tpu.memory_space<hbm>> -> memref<1x512x96xf32, #tpu.memory_space<hbm>>
    %dma_start3A_88 = tpu.memref_squeeze %dma_start3A_87 : memref<1x512x96xf32, #tpu.memory_space<hbm>> -> memref<512x96xf32, #tpu.memory_space<hbm>>
    tpu.enqueue_dma source(%dma_start3A_88 : memref<512x96xf32, #tpu.memory_space<hbm>>) target(%arg5 : memref<512x96xf32, #tpu.memory_space<vmem>>) target_semaphore(%arg8 : memref<!tpu.dma_semaphore, #tpu.memory_space<semaphore_mem>>)
    %dma_wait3A_89 = arith.constant 1024 : i32
    %dma_wait3A_90 = tpu.memref_slice %arg2[%select_n3A, %dma_wait3A_89, %mul3A_32] : memref<4x2048x768xf32, #tpu.memory_space<hbm>> -> memref<1x512x96xf32, #tpu.memory_space<hbm>>
    %dma_wait3A_91 = tpu.memref_squeeze %dma_wait3A_90 : memref<1x512x96xf32, #tpu.memory_space<hbm>> -> memref<512x96xf32, #tpu.memory_space<hbm>>
    %dma_wait3A_92 = arith.constant 1024 : i32
    %dma_wait3A_93 = tpu.memref_slice %arg2[%select_n3A, %dma_wait3A_92, %mul3A_32] : memref<4x2048x768xf32, #tpu.memory_space<hbm>> -> memref<1x512x96xf32, #tpu.memory_space<hbm>>
    %dma_wait3A_94 = tpu.memref_squeeze %dma_wait3A_93 : memref<1x512x96xf32, #tpu.memory_space<hbm>> -> memref<512x96xf32, #tpu.memory_space<hbm>>
    tpu.wait_dma2 semaphore(%arg7 : memref<!tpu.dma_semaphore, #tpu.memory_space<semaphore_mem>>) src(%dma_wait3A_94 : memref<512x96xf32, #tpu.memory_space<hbm>>) dst(%arg4 : memref<512x96xf32, #tpu.memory_space<vmem>>)
    %scan3A_95 = arith.constant 0 : i32
    %scan3A_96 = arith.constant 64 : i32
    %scan3A_97 = arith.addi %scan3A_95, %scan3A_96 : i32
    %scan3A_98 = arith.constant 1 : i32
    %scan3A_99:6 = scf.for %scan3A_136 = %scan3A_95 to %scan3A_97 step %scan3A_98 iter_args(%scan3A_137 = %scan3A_81#0, %scan3A_138 = %scan3A_81#1, %scan3A_139 = %scan3A_81#2, %scan3A_140 = %scan3A_81#3, %scan3A_141 = %scan3A_81#4, %scan3A_142 = %scan3A_81#5) -> (vector<16xf32>, vector<16xf32>, vector<16xf32>, vector<16xf32>, vector<16xf32>, vector<16xf32>)  : i32 {
      %mul3A_143 = arith.constant 8 : i32
      %mul3A_144 = arith.muli %scan3A_136, %mul3A_143 : i32
      %add3A_145 = arith.constant 0 : i32
      %add3A_146 = arith.addi %mul3A_144, %add3A_145 : i32
      %get3A = arith.index_cast %add3A_146 : i32 to index
      %get3A_147 = arith.constant 0 : index
      %get3A_148 = tpu.vector_load %arg4[%get3A, %get3A_147] {strides = array<i32>} : memref<512x96xf32, #tpu.memory_space<vmem>>, vector<1x16xf32>,
      %get3A_149 = vector.shape_cast %get3A_148 : vector<1x16xf32> to vector<16xf32>
      %max3A = arith.maximumf %scan3A_137, %get3A_149 : vector<16xf32>
      %get3A_150 = arith.index_cast %add3A_146 : i32 to index
      %get3A_151 = arith.constant 16 : index
      %get3A_152 = tpu.vector_load %arg4[%get3A_150, %get3A_151] {strides = array<i32>} : memref<512x96xf32, #tpu.memory_space<vmem>>, vector<1x16xf32>,
      %get3A_153 = vector.shape_cast %get3A_152 : vector<1x16xf32> to vector<16xf32>
      %max3A_154 = arith.maximumf %scan3A_138, %get3A_153 : vector<16xf32>
      %get3A_155 = arith.index_cast %add3A_146 : i32 to index
      %get3A_156 = arith.constant 32 : index
      %get3A_157 = tpu.vector_load %arg4[%get3A_155, %get3A_156] {strides = array<i32>} : memref<512x96xf32, #tpu.memory_space<vmem>>, vector<1x16xf32>,
      %get3A_158 = vector.shape_cast %get3A_157 : vector<1x16xf32> to vector<16xf32>
      %max3A_159 = arith.maximumf %scan3A_139, %get3A_158 : vector<16xf32>
      %get3A_160 = arith.index_cast %add3A_146 : i32 to index
      %get3A_161 = arith.constant 48 : index
      %get3A_162 = tpu.vector_load %arg4[%get3A_160, %get3A_161] {strides = array<i32>} : memref<512x96xf32, #tpu.memory_space<vmem>>, vector<1x16xf32>,
      %get3A_163 = vector.shape_cast %get3A_162 : vector<1x16xf32> to vector<16xf32>
      %max3A_164 = arith.maximumf %scan3A_140, %get3A_163 : vector<16xf32>
      %get3A_165 = arith.index_cast %add3A_146 : i32 to index
      %get3A_166 = arith.constant 64 : index
      %get3A_167 = tpu.vector_load %arg4[%get3A_165, %get3A_166] {strides = array<i32>} : memref<512x96xf32, #tpu.memory_space<vmem>>, vector<1x16xf32>,
      %get3A_168 = vector.shape_cast %get3A_167 : vector<1x16xf32> to vector<16xf32>
      %max3A_169 = arith.maximumf %scan3A_141, %get3A_168 : vector<16xf32>
      %get3A_170 = arith.index_cast %add3A_146 : i32 to index
      %get3A_171 = arith.constant 80 : index
      %get3A_172 = tpu.vector_load %arg4[%get3A_170, %get3A_171] {strides = array<i32>} : memref<512x96xf32, #tpu.memory_space<vmem>>, vector<1x16xf32>,
      %get3A_173 = vector.shape_cast %get3A_172 : vector<1x16xf32> to vector<16xf32>
      %max3A_174 = arith.maximumf %scan3A_142, %get3A_173 : vector<16xf32>
      %mul3A_175 = arith.constant 8 : i32
      %mul3A_176 = arith.muli %scan3A_136, %mul3A_175 : i32
      %add3A_177 = arith.constant 1 : i32
      %add3A_178 = arith.addi %mul3A_176, %add3A_177 : i32
      %get3A_179 = arith.index_cast %add3A_178 : i32 to index
      %get3A_180 = arith.constant 0 : index
      %get3A_181 = tpu.vector_load %arg4[%get3A_179, %get3A_180] {strides = array<i32>} : memref<512x96xf32, #tpu.memory_space<vmem>>, vector<1x16xf32>,
      %get3A_182 = vector.shape_cast %get3A_181 : vector<1x16xf32> to vector<16xf32>
      %max3A_183 = arith.maximumf %max3A, %get3A_182 : vector<16xf32>
      %get3A_184 = arith.index_cast %add3A_178 : i32 to index
      %get3A_185 = arith.constant 16 : index
      %get3A_186 = tpu.vector_load %arg4[%get3A_184, %get3A_185] {strides = array<i32>} : memref<512x96xf32, #tpu.memory_space<vmem>>, vector<1x16xf32>,
      %get3A_187 = vector.shape_cast %get3A_186 : vector<1x16xf32> to vector<16xf32>
      %max3A_188 = arith.maximumf %max3A_154, %get3A_187 : vector<16xf32>
      %get3A_189 = arith.index_cast %add3A_178 : i32 to index
      %get3A_190 = arith.constant 32 : index
      %get3A_191 = tpu.vector_load %arg4[%get3A_189, %get3A_190] {strides = array<i32>} : memref<512x96xf32, #tpu.memory_space<vmem>>, vector<1x16xf32>,
      %get3A_192 = vector.shape_cast %get3A_191 : vector<1x16xf32> to vector<16xf32>
      %max3A_193 = arith.maximumf %max3A_159, %get3A_192 : vector<16xf32>
      %get3A_194 = arith.index_cast %add3A_178 : i32 to index
      %get3A_195 = arith.constant 48 : index
      %get3A_196 = tpu.vector_load %arg4[%get3A_194, %get3A_195] {strides = array<i32>} : memref<512x96xf32, #tpu.memory_space<vmem>>, vector<1x16xf32>,
      %get3A_197 = vector.shape_cast %get3A_196 : vector<1x16xf32> to vector<16xf32>
      %max3A_198 = arith.maximumf %max3A_164, %get3A_197 : vector<16xf32>
      %get3A_199 = arith.index_cast %add3A_178 : i32 to index
      %get3A_200 = arith.constant 64 : index
      %get3A_201 = tpu.vector_load %arg4[%get3A_199, %get3A_200] {strides = array<i32>} : memref<512x96xf32, #tpu.memory_space<vmem>>, vector<1x16xf32>,
      %get3A_202 = vector.shape_cast %get3A_201 : vector<1x16xf32> to vector<16xf32>
      %max3A_203 = arith.maximumf %max3A_169, %get3A_202 : vector<16xf32>
      %get3A_204 = arith.index_cast %add3A_178 : i32 to index
      %get3A_205 = arith.constant 80 : index
      %get3A_206 = tpu.vector_load %arg4[%get3A_204, %get3A_205] {strides = array<i32>} : memref<512x96xf32, #tpu.memory_space<vmem>>, vector<1x16xf32>,
      %get3A_207 = vector.shape_cast %get3A_206 : vector<1x16xf32> to vector<16xf32>
      %max3A_208 = arith.maximumf %max3A_174, %get3A_207 : vector<16xf32>
      %mul3A_209 = arith.constant 8 : i32
      %mul3A_210 = arith.muli %scan3A_136, %mul3A_209 : i32
      %add3A_211 = arith.constant 2 : i32
      %add3A_212 = arith.addi %mul3A_210, %add3A_211 : i32
      %get3A_213 = arith.index_cast %add3A_212 : i32 to index
      %get3A_214 = arith.constant 0 : index
      %get3A_215 = tpu.vector_load %arg4[%get3A_213, %get3A_214] {strides = array<i32>} : memref<512x96xf32, #tpu.memory_space<vmem>>, vector<1x16xf32>,
      %get3A_216 = vector.shape_cast %get3A_215 : vector<1x16xf32> to vector<16xf32>
      %max3A_217 = arith.maximumf %max3A_183, %get3A_216 : vector<16xf32>
      %get3A_218 = arith.index_cast %add3A_212 : i32 to index
      %get3A_219 = arith.constant 16 : index
      %get3A_220 = tpu.vector_load %arg4[%get3A_218, %get3A_219] {strides = array<i32>} : memref<512x96xf32, #tpu.memory_space<vmem>>, vector<1x16xf32>,
      %get3A_221 = vector.shape_cast %get3A_220 : vector<1x16xf32> to vector<16xf32>
      %max3A_222 = arith.maximumf %max3A_188, %get3A_221 : vector<16xf32>
      %get3A_223 = arith.index_cast %add3A_212 : i32 to index
      %get3A_224 = arith.constant 32 : index
      %get3A_225 = tpu.vector_load %arg4[%get3A_223, %get3A_224] {strides = array<i32>} : memref<512x96xf32, #tpu.memory_space<vmem>>, vector<1x16xf32>,
      %get3A_226 = vector.shape_cast %get3A_225 : vector<1x16xf32> to vector<16xf32>
      %max3A_227 = arith.maximumf %max3A_193, %get3A_226 : vector<16xf32>
      %get3A_228 = arith.index_cast %add3A_212 : i32 to index
      %get3A_229 = arith.constant 48 : index
      %get3A_230 = tpu.vector_load %arg4[%get3A_228, %get3A_229] {strides = array<i32>} : memref<512x96xf32, #tpu.memory_space<vmem>>, vector<1x16xf32>,
      %get3A_231 = vector.shape_cast %get3A_230 : vector<1x16xf32> to vector<16xf32>
      %max3A_232 = arith.maximumf %max3A_198, %get3A_231 : vector<16xf32>
      %get3A_233 = arith.index_cast %add3A_212 : i32 to index
      %get3A_234 = arith.constant 64 : index
      %get3A_235 = tpu.vector_load %arg4[%get3A_233, %get3A_234] {strides = array<i32>} : memref<512x96xf32, #tpu.memory_space<vmem>>, vector<1x16xf32>,
      %get3A_236 = vector.shape_cast %get3A_235 : vector<1x16xf32> to vector<16xf32>
      %max3A_237 = arith.maximumf %max3A_203, %get3A_236 : vector<16xf32>
      %get3A_238 = arith.index_cast %add3A_212 : i32 to index
      %get3A_239 = arith.constant 80 : index
      %get3A_240 = tpu.vector_load %arg4[%get3A_238, %get3A_239] {strides = array<i32>} : memref<512x96xf32, #tpu.memory_space<vmem>>, vector<1x16xf32>,
      %get3A_241 = vector.shape_cast %get3A_240 : vector<1x16xf32> to vector<16xf32>
      %max3A_242 = arith.maximumf %max3A_208, %get3A_241 : vector<16xf32>
      %mul3A_243 = arith.constant 8 : i32
      %mul3A_244 = arith.muli %scan3A_136, %mul3A_243 : i32
      %add3A_245 = arith.constant 3 : i32
      %add3A_246 = arith.addi %mul3A_244, %add3A_245 : i32
      %get3A_247 = arith.index_cast %add3A_246 : i32 to index
      %get3A_248 = arith.constant 0 : index
      %get3A_249 = tpu.vector_load %arg4[%get3A_247, %get3A_248] {strides = array<i32>} : memref<512x96xf32, #tpu.memory_space<vmem>>, vector<1x16xf32>,
      %get3A_250 = vector.shape_cast %get3A_249 : vector<1x16xf32> to vector<16xf32>
      %max3A_251 = arith.maximumf %max3A_217, %get3A_250 : vector<16xf32>
      %get3A_252 = arith.index_cast %add3A_246 : i32 to index
      %get3A_253 = arith.constant 16 : index
      %get3A_254 = tpu.vector_load %arg4[%get3A_252, %get3A_253] {strides = array<i32>} : memref<512x96xf32, #tpu.memory_space<vmem>>, vector<1x16xf32>,
      %get3A_255 = vector.shape_cast %get3A_254 : vector<1x16xf32> to vector<16xf32>
      %max3A_256 = arith.maximumf %max3A_222, %get3A_255 : vector<16xf32>
      %get3A_257 = arith.index_cast %add3A_246 : i32 to index
      %get3A_258 = arith.constant 32 : index
      %get3A_259 = tpu.vector_load %arg4[%get3A_257, %get3A_258] {strides = array<i32>} : memref<512x96xf32, #tpu.memory_space<vmem>>, vector<1x16xf32>,
      %get3A_260 = vector.shape_cast %get3A_259 : vector<1x16xf32> to vector<16xf32>
      %max3A_261 = arith.maximumf %max3A_227, %get3A_260 : vector<16xf32>
      %get3A_262 = arith.index_cast %add3A_246 : i32 to index
      %get3A_263 = arith.constant 48 : index
      %get3A_264 = tpu.vector_load %arg4[%get3A_262, %get3A_263] {strides = array<i32>} : memref<512x96xf32, #tpu.memory_space<vmem>>, vector<1x16xf32>,
      %get3A_265 = vector.shape_cast %get3A_264 : vector<1x16xf32> to vector<16xf32>
      %max3A_266 = arith.maximumf %max3A_232, %get3A_265 : vector<16xf32>
      %get3A_267 = arith.index_cast %add3A_246 : i32 to index
      %get3A_268 = arith.constant 64 : index
      %get3A_269 = tpu.vector_load %arg4[%get3A_267, %get3A_268] {strides = array<i32>} : memref<512x96xf32, #tpu.memory_space<vmem>>, vector<1x16xf32>,
      %get3A_270 = vector.shape_cast %get3A_269 : vector<1x16xf32> to vector<16xf32>
      %max3A_271 = arith.maximumf %max3A_237, %get3A_270 : vector<16xf32>
      %get3A_272 = arith.index_cast %add3A_246 : i32 to index
      %get3A_273 = arith.constant 80 : index
      %get3A_274 = tpu.vector_load %arg4[%get3A_272, %get3A_273] {strides = array<i32>} : memref<512x96xf32, #tpu.memory_space<vmem>>, vector<1x16xf32>,
      %get3A_275 = vector.shape_cast %get3A_274 : vector<1x16xf32> to vector<16xf32>
      %max3A_276 = arith.maximumf %max3A_242, %get3A_275 : vector<16xf32>
      %mul3A_277 = arith.constant 8 : i32
      %mul3A_278 = arith.muli %scan3A_136, %mul3A_277 : i32
      %add3A_279 = arith.constant 4 : i32
      %add3A_280 = arith.addi %mul3A_278, %add3A_279 : i32
      %get3A_281 = arith.index_cast %add3A_280 : i32 to index
      %get3A_282 = arith.constant 0 : index
      %get3A_283 = tpu.vector_load %arg4[%get3A_281, %get3A_282] {strides = array<i32>} : memref<512x96xf32, #tpu.memory_space<vmem>>, vector<1x16xf32>,
      %get3A_284 = vector.shape_cast %get3A_283 : vector<1x16xf32> to vector<16xf32>
      %max3A_285 = arith.maximumf %max3A_251, %get3A_284 : vector<16xf32>
      %get3A_286 = arith.index_cast %add3A_280 : i32 to index
      %get3A_287 = arith.constant 16 : index
      %get3A_288 = tpu.vector_load %arg4[%get3A_286, %get3A_287] {strides = array<i32>} : memref<512x96xf32, #tpu.memory_space<vmem>>, vector<1x16xf32>,
      %get3A_289 = vector.shape_cast %get3A_288 : vector<1x16xf32> to vector<16xf32>
      %max3A_290 = arith.maximumf %max3A_256, %get3A_289 : vector<16xf32>
      %get3A_291 = arith.index_cast %add3A_280 : i32 to index
      %get3A_292 = arith.constant 32 : index
      %get3A_293 = tpu.vector_load %arg4[%get3A_291, %get3A_292] {strides = array<i32>} : memref<512x96xf32, #tpu.memory_space<vmem>>, vector<1x16xf32>,
      %get3A_294 = vector.shape_cast %get3A_293 : vector<1x16xf32> to vector<16xf32>
      %max3A_295 = arith.maximumf %max3A_261, %get3A_294 : vector<16xf32>
      %get3A_296 = arith.index_cast %add3A_280 : i32 to index
      %get3A_297 = arith.constant 48 : index
      %get3A_298 = tpu.vector_load %arg4[%get3A_296, %get3A_297] {strides = array<i32>} : memref<512x96xf32, #tpu.memory_space<vmem>>, vector<1x16xf32>,
      %get3A_299 = vector.shape_cast %get3A_298 : vector<1x16xf32> to vector<16xf32>
      %max3A_300 = arith.maximumf %max3A_266, %get3A_299 : vector<16xf32>
      %get3A_301 = arith.index_cast %add3A_280 : i32 to index
      %get3A_302 = arith.constant 64 : index
      %get3A_303 = tpu.vector_load %arg4[%get3A_301, %get3A_302] {strides = array<i32>} : memref<512x96xf32, #tpu.memory_space<vmem>>, vector<1x16xf32>,
      %get3A_304 = vector.shape_cast %get3A_303 : vector<1x16xf32> to vector<16xf32>
      %max3A_305 = arith.maximumf %max3A_271, %get3A_304 : vector<16xf32>
      %get3A_306 = arith.index_cast %add3A_280 : i32 to index
      %get3A_307 = arith.constant 80 : index
      %get3A_308 = tpu.vector_load %arg4[%get3A_306, %get3A_307] {strides = array<i32>} : memref<512x96xf32, #tpu.memory_space<vmem>>, vector<1x16xf32>,
      %get3A_309 = vector.shape_cast %get3A_308 : vector<1x16xf32> to vector<16xf32>
      %max3A_310 = arith.maximumf %max3A_276, %get3A_309 : vector<16xf32>
      %mul3A_311 = arith.constant 8 : i32
      %mul3A_312 = arith.muli %scan3A_136, %mul3A_311 : i32
      %add3A_313 = arith.constant 5 : i32
      %add3A_314 = arith.addi %mul3A_312, %add3A_313 : i32
      %get3A_315 = arith.index_cast %add3A_314 : i32 to index
      %get3A_316 = arith.constant 0 : index
      %get3A_317 = tpu.vector_load %arg4[%get3A_315, %get3A_316] {strides = array<i32>} : memref<512x96xf32, #tpu.memory_space<vmem>>, vector<1x16xf32>,
      %get3A_318 = vector.shape_cast %get3A_317 : vector<1x16xf32> to vector<16xf32>
      %max3A_319 = arith.maximumf %max3A_285, %get3A_318 : vector<16xf32>
      %get3A_320 = arith.index_cast %add3A_314 : i32 to index
      %get3A_321 = arith.constant 16 : index
      %get3A_322 = tpu.vector_load %arg4[%get3A_320, %get3A_321] {strides = array<i32>} : memref<512x96xf32, #tpu.memory_space<vmem>>, vector<1x16xf32>,
      %get3A_323 = vector.shape_cast %get3A_322 : vector<1x16xf32> to vector<16xf32>
      %max3A_324 = arith.maximumf %max3A_290, %get3A_323 : vector<16xf32>
      %get3A_325 = arith.index_cast %add3A_314 : i32 to index
      %get3A_326 = arith.constant 32 : index
      %get3A_327 = tpu.vector_load %arg4[%get3A_325, %get3A_326] {strides = array<i32>} : memref<512x96xf32, #tpu.memory_space<vmem>>, vector<1x16xf32>,
      %get3A_328 = vector.shape_cast %get3A_327 : vector<1x16xf32> to vector<16xf32>
      %max3A_329 = arith.maximumf %max3A_295, %get3A_328 : vector<16xf32>
      %get3A_330 = arith.index_cast %add3A_314 : i32 to index
      %get3A_331 = arith.constant 48 : index
      %get3A_332 = tpu.vector_load %arg4[%get3A_330, %get3A_331] {strides = array<i32>} : memref<512x96xf32, #tpu.memory_space<vmem>>, vector<1x16xf32>,
      %get3A_333 = vector.shape_cast %get3A_332 : vector<1x16xf32> to vector<16xf32>
      %max3A_334 = arith.maximumf %max3A_300, %get3A_333 : vector<16xf32>
      %get3A_335 = arith.index_cast %add3A_314 : i32 to index
      %get3A_336 = arith.constant 64 : index
      %get3A_337 = tpu.vector_load %arg4[%get3A_335, %get3A_336] {strides = array<i32>} : memref<512x96xf32, #tpu.memory_space<vmem>>, vector<1x16xf32>,
      %get3A_338 = vector.shape_cast %get3A_337 : vector<1x16xf32> to vector<16xf32>
      %max3A_339 = arith.maximumf %max3A_305, %get3A_338 : vector<16xf32>
      %get3A_340 = arith.index_cast %add3A_314 : i32 to index
      %get3A_341 = arith.constant 80 : index
      %get3A_342 = tpu.vector_load %arg4[%get3A_340, %get3A_341] {strides = array<i32>} : memref<512x96xf32, #tpu.memory_space<vmem>>, vector<1x16xf32>,
      %get3A_343 = vector.shape_cast %get3A_342 : vector<1x16xf32> to vector<16xf32>
      %max3A_344 = arith.maximumf %max3A_310, %get3A_343 : vector<16xf32>
      %mul3A_345 = arith.constant 8 : i32
      %mul3A_346 = arith.muli %scan3A_136, %mul3A_345 : i32
      %add3A_347 = arith.constant 6 : i32
      %add3A_348 = arith.addi %mul3A_346, %add3A_347 : i32
      %get3A_349 = arith.index_cast %add3A_348 : i32 to index
      %get3A_350 = arith.constant 0 : index
      %get3A_351 = tpu.vector_load %arg4[%get3A_349, %get3A_350] {strides = array<i32>} : memref<512x96xf32, #tpu.memory_space<vmem>>, vector<1x16xf32>,
      %get3A_352 = vector.shape_cast %get3A_351 : vector<1x16xf32> to vector<16xf32>
      %max3A_353 = arith.maximumf %max3A_319, %get3A_352 : vector<16xf32>
      %get3A_354 = arith.index_cast %add3A_348 : i32 to index
      %get3A_355 = arith.constant 16 : index
      %get3A_356 = tpu.vector_load %arg4[%get3A_354, %get3A_355] {strides = array<i32>} : memref<512x96xf32, #tpu.memory_space<vmem>>, vector<1x16xf32>,
      %get3A_357 = vector.shape_cast %get3A_356 : vector<1x16xf32> to vector<16xf32>
      %max3A_358 = arith.maximumf %max3A_324, %get3A_357 : vector<16xf32>
      %get3A_359 = arith.index_cast %add3A_348 : i32 to index
      %get3A_360 = arith.constant 32 : index
      %get3A_361 = tpu.vector_load %arg4[%get3A_359, %get3A_360] {strides = array<i32>} : memref<512x96xf32, #tpu.memory_space<vmem>>, vector<1x16xf32>,
      %get3A_362 = vector.shape_cast %get3A_361 : vector<1x16xf32> to vector<16xf32>
      %max3A_363 = arith.maximumf %max3A_329, %get3A_362 : vector<16xf32>
      %get3A_364 = arith.index_cast %add3A_348 : i32 to index
      %get3A_365 = arith.constant 48 : index
      %get3A_366 = tpu.vector_load %arg4[%get3A_364, %get3A_365] {strides = array<i32>} : memref<512x96xf32, #tpu.memory_space<vmem>>, vector<1x16xf32>,
      %get3A_367 = vector.shape_cast %get3A_366 : vector<1x16xf32> to vector<16xf32>
      %max3A_368 = arith.maximumf %max3A_334, %get3A_367 : vector<16xf32>
      %get3A_369 = arith.index_cast %add3A_348 : i32 to index
      %get3A_370 = arith.constant 64 : index
      %get3A_371 = tpu.vector_load %arg4[%get3A_369, %get3A_370] {strides = array<i32>} : memref<512x96xf32, #tpu.memory_space<vmem>>, vector<1x16xf32>,
      %get3A_372 = vector.shape_cast %get3A_371 : vector<1x16xf32> to vector<16xf32>
      %max3A_373 = arith.maximumf %max3A_339, %get3A_372 : vector<16xf32>
      %get3A_374 = arith.index_cast %add3A_348 : i32 to index
      %get3A_375 = arith.constant 80 : index
      %get3A_376 = tpu.vector_load %arg4[%get3A_374, %get3A_375] {strides = array<i32>} : memref<512x96xf32, #tpu.memory_space<vmem>>, vector<1x16xf32>,
      %get3A_377 = vector.shape_cast %get3A_376 : vector<1x16xf32> to vector<16xf32>
      %max3A_378 = arith.maximumf %max3A_344, %get3A_377 : vector<16xf32>
      %mul3A_379 = arith.constant 8 : i32
      %mul3A_380 = arith.muli %scan3A_136, %mul3A_379 : i32
      %add3A_381 = arith.constant 7 : i32
      %add3A_382 = arith.addi %mul3A_380, %add3A_381 : i32
      %get3A_383 = arith.index_cast %add3A_382 : i32 to index
      %get3A_384 = arith.constant 0 : index
      %get3A_385 = tpu.vector_load %arg4[%get3A_383, %get3A_384] {strides = array<i32>} : memref<512x96xf32, #tpu.memory_space<vmem>>, vector<1x16xf32>,
      %get3A_386 = vector.shape_cast %get3A_385 : vector<1x16xf32> to vector<16xf32>
      %max3A_387 = arith.maximumf %max3A_353, %get3A_386 : vector<16xf32>
      %get3A_388 = arith.index_cast %add3A_382 : i32 to index
      %get3A_389 = arith.constant 16 : index
      %get3A_390 = tpu.vector_load %arg4[%get3A_388, %get3A_389] {strides = array<i32>} : memref<512x96xf32, #tpu.memory_space<vmem>>, vector<1x16xf32>,
      %get3A_391 = vector.shape_cast %get3A_390 : vector<1x16xf32> to vector<16xf32>
      %max3A_392 = arith.maximumf %max3A_358, %get3A_391 : vector<16xf32>
      %get3A_393 = arith.index_cast %add3A_382 : i32 to index
      %get3A_394 = arith.constant 32 : index
      %get3A_395 = tpu.vector_load %arg4[%get3A_393, %get3A_394] {strides = array<i32>} : memref<512x96xf32, #tpu.memory_space<vmem>>, vector<1x16xf32>,
      %get3A_396 = vector.shape_cast %get3A_395 : vector<1x16xf32> to vector<16xf32>
      %max3A_397 = arith.maximumf %max3A_363, %get3A_396 : vector<16xf32>
      %get3A_398 = arith.index_cast %add3A_382 : i32 to index
      %get3A_399 = arith.constant 48 : index
      %get3A_400 = tpu.vector_load %arg4[%get3A_398, %get3A_399] {strides = array<i32>} : memref<512x96xf32, #tpu.memory_space<vmem>>, vector<1x16xf32>,
      %get3A_401 = vector.shape_cast %get3A_400 : vector<1x16xf32> to vector<16xf32>
      %max3A_402 = arith.maximumf %max3A_368, %get3A_401 : vector<16xf32>
      %get3A_403 = arith.index_cast %add3A_382 : i32 to index
      %get3A_404 = arith.constant 64 : index
      %get3A_405 = tpu.vector_load %arg4[%get3A_403, %get3A_404] {strides = array<i32>} : memref<512x96xf32, #tpu.memory_space<vmem>>, vector<1x16xf32>,
      %get3A_406 = vector.shape_cast %get3A_405 : vector<1x16xf32> to vector<16xf32>
      %max3A_407 = arith.maximumf %max3A_373, %get3A_406 : vector<16xf32>
      %get3A_408 = arith.index_cast %add3A_382 : i32 to index
      %get3A_409 = arith.constant 80 : index
      %get3A_410 = tpu.vector_load %arg4[%get3A_408, %get3A_409] {strides = array<i32>} : memref<512x96xf32, #tpu.memory_space<vmem>>, vector<1x16xf32>,
      %get3A_411 = vector.shape_cast %get3A_410 : vector<1x16xf32> to vector<16xf32>
      %max3A_412 = arith.maximumf %max3A_378, %get3A_411 : vector<16xf32>
      scf.yield %max3A_387, %max3A_392, %max3A_397, %max3A_402, %max3A_407, %max3A_412 : vector<16xf32>, vector<16xf32>, vector<16xf32>, vector<16xf32>, vector<16xf32>, vector<16xf32>
    }
    %scan3A_100 = arith.constant 64 : i32
    %dma_wait3A_101 = arith.constant 1536 : i32
    %dma_wait3A_102 = tpu.memref_slice %arg2[%select_n3A, %dma_wait3A_101, %mul3A_32] : memref<4x2048x768xf32, #tpu.memory_space<hbm>> -> memref<1x512x96xf32, #tpu.memory_space<hbm>>
    %dma_wait3A_103 = tpu.memref_squeeze %dma_wait3A_102 : memref<1x512x96xf32, #tpu.memory_space<hbm>> -> memref<512x96xf32, #tpu.memory_space<hbm>>
    %dma_wait3A_104 = arith.constant 1536 : i32
    %dma_wait3A_105 = tpu.memref_slice %arg2[%select_n3A, %dma_wait3A_104, %mul3A_32] : memref<4x2048x768xf32, #tpu.memory_space<hbm>> -> memref<1x512x96xf32, #tpu.memory_space<hbm>>
    %dma_wait3A_106 = tpu.memref_squeeze %dma_wait3A_105 : memref<1x512x96xf32, #tpu.memory_space<hbm>> -> memref<512x96xf32, #tpu.memory_space<hbm>>
    tpu.wait_dma2 semaphore(%arg8 : memref<!tpu.dma_semaphore, #tpu.memory_space<semaphore_mem>>) src(%dma_wait3A_106 : memref<512x96xf32, #tpu.memory_space<hbm>>) dst(%arg5 : memref<512x96xf32, #tpu.memory_space<vmem>>)
    %scan3A_107 = arith.constant 0 : i32
    %scan3A_108 = arith.constant 64 : i32
    %scan3A_109 = arith.addi %scan3A_107, %scan3A_108 : i32
    %scan3A_110 = arith.constant 1 : i32
    %scan3A_111:6 = scf.for %scan3A_136 = %scan3A_107 to %scan3A_109 step %scan3A_110 iter_args(%scan3A_137 = %scan3A_99#0, %scan3A_138 = %scan3A_99#1, %scan3A_139 = %scan3A_99#2, %scan3A_140 = %scan3A_99#3, %scan3A_141 = %scan3A_99#4, %scan3A_142 = %scan3A_99#5) -> (vector<16xf32>, vector<16xf32>, vector<16xf32>, vector<16xf32>, vector<16xf32>, vector<16xf32>)  : i32 {
      %mul3A_143 = arith.constant 8 : i32
      %mul3A_144 = arith.muli %scan3A_136, %mul3A_143 : i32
      %add3A_145 = arith.constant 0 : i32
      %add3A_146 = arith.addi %mul3A_144, %add3A_145 : i32
      %get3A = arith.index_cast %add3A_146 : i32 to index
      %get3A_147 = arith.constant 0 : index
      %get3A_148 = tpu.vector_load %arg5[%get3A, %get3A_147] {strides = array<i32>} : memref<512x96xf32, #tpu.memory_space<vmem>>, vector<1x16xf32>,
      %get3A_149 = vector.shape_cast %get3A_148 : vector<1x16xf32> to vector<16xf32>
      %max3A = arith.maximumf %scan3A_137, %get3A_149 : vector<16xf32>
      %get3A_150 = arith.index_cast %add3A_146 : i32 to index
      %get3A_151 = arith.constant 16 : index
      %get3A_152 = tpu.vector_load %arg5[%get3A_150, %get3A_151] {strides = array<i32>} : memref<512x96xf32, #tpu.memory_space<vmem>>, vector<1x16xf32>,
      %get3A_153 = vector.shape_cast %get3A_152 : vector<1x16xf32> to vector<16xf32>
      %max3A_154 = arith.maximumf %scan3A_138, %get3A_153 : vector<16xf32>
      %get3A_155 = arith.index_cast %add3A_146 : i32 to index
      %get3A_156 = arith.constant 32 : index
      %get3A_157 = tpu.vector_load %arg5[%get3A_155, %get3A_156] {strides = array<i32>} : memref<512x96xf32, #tpu.memory_space<vmem>>, vector<1x16xf32>,
      %get3A_158 = vector.shape_cast %get3A_157 : vector<1x16xf32> to vector<16xf32>
      %max3A_159 = arith.maximumf %scan3A_139, %get3A_158 : vector<16xf32>
      %get3A_160 = arith.index_cast %add3A_146 : i32 to index
      %get3A_161 = arith.constant 48 : index
      %get3A_162 = tpu.vector_load %arg5[%get3A_160, %get3A_161] {strides = array<i32>} : memref<512x96xf32, #tpu.memory_space<vmem>>, vector<1x16xf32>,
      %get3A_163 = vector.shape_cast %get3A_162 : vector<1x16xf32> to vector<16xf32>
      %max3A_164 = arith.maximumf %scan3A_140, %get3A_163 : vector<16xf32>
      %get3A_165 = arith.index_cast %add3A_146 : i32 to index
      %get3A_166 = arith.constant 64 : index
      %get3A_167 = tpu.vector_load %arg5[%get3A_165, %get3A_166] {strides = array<i32>} : memref<512x96xf32, #tpu.memory_space<vmem>>, vector<1x16xf32>,
      %get3A_168 = vector.shape_cast %get3A_167 : vector<1x16xf32> to vector<16xf32>
      %max3A_169 = arith.maximumf %scan3A_141, %get3A_168 : vector<16xf32>
      %get3A_170 = arith.index_cast %add3A_146 : i32 to index
      %get3A_171 = arith.constant 80 : index
      %get3A_172 = tpu.vector_load %arg5[%get3A_170, %get3A_171] {strides = array<i32>} : memref<512x96xf32, #tpu.memory_space<vmem>>, vector<1x16xf32>,
      %get3A_173 = vector.shape_cast %get3A_172 : vector<1x16xf32> to vector<16xf32>
      %max3A_174 = arith.maximumf %scan3A_142, %get3A_173 : vector<16xf32>
      %mul3A_175 = arith.constant 8 : i32
      %mul3A_176 = arith.muli %scan3A_136, %mul3A_175 : i32
      %add3A_177 = arith.constant 1 : i32
      %add3A_178 = arith.addi %mul3A_176, %add3A_177 : i32
      %get3A_179 = arith.index_cast %add3A_178 : i32 to index
      %get3A_180 = arith.constant 0 : index
      %get3A_181 = tpu.vector_load %arg5[%get3A_179, %get3A_180] {strides = array<i32>} : memref<512x96xf32, #tpu.memory_space<vmem>>, vector<1x16xf32>,
      %get3A_182 = vector.shape_cast %get3A_181 : vector<1x16xf32> to vector<16xf32>
      %max3A_183 = arith.maximumf %max3A, %get3A_182 : vector<16xf32>
      %get3A_184 = arith.index_cast %add3A_178 : i32 to index
      %get3A_185 = arith.constant 16 : index
      %get3A_186 = tpu.vector_load %arg5[%get3A_184, %get3A_185] {strides = array<i32>} : memref<512x96xf32, #tpu.memory_space<vmem>>, vector<1x16xf32>,
      %get3A_187 = vector.shape_cast %get3A_186 : vector<1x16xf32> to vector<16xf32>
      %max3A_188 = arith.maximumf %max3A_154, %get3A_187 : vector<16xf32>
      %get3A_189 = arith.index_cast %add3A_178 : i32 to index
      %get3A_190 = arith.constant 32 : index
      %get3A_191 = tpu.vector_load %arg5[%get3A_189, %get3A_190] {strides = array<i32>} : memref<512x96xf32, #tpu.memory_space<vmem>>, vector<1x16xf32>,
      %get3A_192 = vector.shape_cast %get3A_191 : vector<1x16xf32> to vector<16xf32>
      %max3A_193 = arith.maximumf %max3A_159, %get3A_192 : vector<16xf32>
      %get3A_194 = arith.index_cast %add3A_178 : i32 to index
      %get3A_195 = arith.constant 48 : index
      %get3A_196 = tpu.vector_load %arg5[%get3A_194, %get3A_195] {strides = array<i32>} : memref<512x96xf32, #tpu.memory_space<vmem>>, vector<1x16xf32>,
      %get3A_197 = vector.shape_cast %get3A_196 : vector<1x16xf32> to vector<16xf32>
      %max3A_198 = arith.maximumf %max3A_164, %get3A_197 : vector<16xf32>
      %get3A_199 = arith.index_cast %add3A_178 : i32 to index
      %get3A_200 = arith.constant 64 : index
      %get3A_201 = tpu.vector_load %arg5[%get3A_199, %get3A_200] {strides = array<i32>} : memref<512x96xf32, #tpu.memory_space<vmem>>, vector<1x16xf32>,
      %get3A_202 = vector.shape_cast %get3A_201 : vector<1x16xf32> to vector<16xf32>
      %max3A_203 = arith.maximumf %max3A_169, %get3A_202 : vector<16xf32>
      %get3A_204 = arith.index_cast %add3A_178 : i32 to index
      %get3A_205 = arith.constant 80 : index
      %get3A_206 = tpu.vector_load %arg5[%get3A_204, %get3A_205] {strides = array<i32>} : memref<512x96xf32, #tpu.memory_space<vmem>>, vector<1x16xf32>,
      %get3A_207 = vector.shape_cast %get3A_206 : vector<1x16xf32> to vector<16xf32>
      %max3A_208 = arith.maximumf %max3A_174, %get3A_207 : vector<16xf32>
      %mul3A_209 = arith.constant 8 : i32
      %mul3A_210 = arith.muli %scan3A_136, %mul3A_209 : i32
      %add3A_211 = arith.constant 2 : i32
      %add3A_212 = arith.addi %mul3A_210, %add3A_211 : i32
      %get3A_213 = arith.index_cast %add3A_212 : i32 to index
      %get3A_214 = arith.constant 0 : index
      %get3A_215 = tpu.vector_load %arg5[%get3A_213, %get3A_214] {strides = array<i32>} : memref<512x96xf32, #tpu.memory_space<vmem>>, vector<1x16xf32>,
      %get3A_216 = vector.shape_cast %get3A_215 : vector<1x16xf32> to vector<16xf32>
      %max3A_217 = arith.maximumf %max3A_183, %get3A_216 : vector<16xf32>
      %get3A_218 = arith.index_cast %add3A_212 : i32 to index
      %get3A_219 = arith.constant 16 : index
      %get3A_220 = tpu.vector_load %arg5[%get3A_218, %get3A_219] {strides = array<i32>} : memref<512x96xf32, #tpu.memory_space<vmem>>, vector<1x16xf32>,
      %get3A_221 = vector.shape_cast %get3A_220 : vector<1x16xf32> to vector<16xf32>
      %max3A_222 = arith.maximumf %max3A_188, %get3A_221 : vector<16xf32>
      %get3A_223 = arith.index_cast %add3A_212 : i32 to index
      %get3A_224 = arith.constant 32 : index
      %get3A_225 = tpu.vector_load %arg5[%get3A_223, %get3A_224] {strides = array<i32>} : memref<512x96xf32, #tpu.memory_space<vmem>>, vector<1x16xf32>,
      %get3A_226 = vector.shape_cast %get3A_225 : vector<1x16xf32> to vector<16xf32>
      %max3A_227 = arith.maximumf %max3A_193, %get3A_226 : vector<16xf32>
      %get3A_228 = arith.index_cast %add3A_212 : i32 to index
      %get3A_229 = arith.constant 48 : index
      %get3A_230 = tpu.vector_load %arg5[%get3A_228, %get3A_229] {strides = array<i32>} : memref<512x96xf32, #tpu.memory_space<vmem>>, vector<1x16xf32>,
      %get3A_231 = vector.shape_cast %get3A_230 : vector<1x16xf32> to vector<16xf32>
      %max3A_232 = arith.maximumf %max3A_198, %get3A_231 : vector<16xf32>
      %get3A_233 = arith.index_cast %add3A_212 : i32 to index
      %get3A_234 = arith.constant 64 : index
      %get3A_235 = tpu.vector_load %arg5[%get3A_233, %get3A_234] {strides = array<i32>} : memref<512x96xf32, #tpu.memory_space<vmem>>, vector<1x16xf32>,
      %get3A_236 = vector.shape_cast %get3A_235 : vector<1x16xf32> to vector<16xf32>
      %max3A_237 = arith.maximumf %max3A_203, %get3A_236 : vector<16xf32>
      %get3A_238 = arith.index_cast %add3A_212 : i32 to index
      %get3A_239 = arith.constant 80 : index
      %get3A_240 = tpu.vector_load %arg5[%get3A_238, %get3A_239] {strides = array<i32>} : memref<512x96xf32, #tpu.memory_space<vmem>>, vector<1x16xf32>,
      %get3A_241 = vector.shape_cast %get3A_240 : vector<1x16xf32> to vector<16xf32>
      %max3A_242 = arith.maximumf %max3A_208, %get3A_241 : vector<16xf32>
      %mul3A_243 = arith.constant 8 : i32
      %mul3A_244 = arith.muli %scan3A_136, %mul3A_243 : i32
      %add3A_245 = arith.constant 3 : i32
      %add3A_246 = arith.addi %mul3A_244, %add3A_245 : i32
      %get3A_247 = arith.index_cast %add3A_246 : i32 to index
      %get3A_248 = arith.constant 0 : index
      %get3A_249 = tpu.vector_load %arg5[%get3A_247, %get3A_248] {strides = array<i32>} : memref<512x96xf32, #tpu.memory_space<vmem>>, vector<1x16xf32>,
      %get3A_250 = vector.shape_cast %get3A_249 : vector<1x16xf32> to vector<16xf32>
      %max3A_251 = arith.maximumf %max3A_217, %get3A_250 : vector<16xf32>
      %get3A_252 = arith.index_cast %add3A_246 : i32 to index
      %get3A_253 = arith.constant 16 : index
      %get3A_254 = tpu.vector_load %arg5[%get3A_252, %get3A_253] {strides = array<i32>} : memref<512x96xf32, #tpu.memory_space<vmem>>, vector<1x16xf32>,
      %get3A_255 = vector.shape_cast %get3A_254 : vector<1x16xf32> to vector<16xf32>
      %max3A_256 = arith.maximumf %max3A_222, %get3A_255 : vector<16xf32>
      %get3A_257 = arith.index_cast %add3A_246 : i32 to index
      %get3A_258 = arith.constant 32 : index
      %get3A_259 = tpu.vector_load %arg5[%get3A_257, %get3A_258] {strides = array<i32>} : memref<512x96xf32, #tpu.memory_space<vmem>>, vector<1x16xf32>,
      %get3A_260 = vector.shape_cast %get3A_259 : vector<1x16xf32> to vector<16xf32>
      %max3A_261 = arith.maximumf %max3A_227, %get3A_260 : vector<16xf32>
      %get3A_262 = arith.index_cast %add3A_246 : i32 to index
      %get3A_263 = arith.constant 48 : index
      %get3A_264 = tpu.vector_load %arg5[%get3A_262, %get3A_263] {strides = array<i32>} : memref<512x96xf32, #tpu.memory_space<vmem>>, vector<1x16xf32>,
      %get3A_265 = vector.shape_cast %get3A_264 : vector<1x16xf32> to vector<16xf32>
      %max3A_266 = arith.maximumf %max3A_232, %get3A_265 : vector<16xf32>
      %get3A_267 = arith.index_cast %add3A_246 : i32 to index
      %get3A_268 = arith.constant 64 : index
      %get3A_269 = tpu.vector_load %arg5[%get3A_267, %get3A_268] {strides = array<i32>} : memref<512x96xf32, #tpu.memory_space<vmem>>, vector<1x16xf32>,
      %get3A_270 = vector.shape_cast %get3A_269 : vector<1x16xf32> to vector<16xf32>
      %max3A_271 = arith.maximumf %max3A_237, %get3A_270 : vector<16xf32>
      %get3A_272 = arith.index_cast %add3A_246 : i32 to index
      %get3A_273 = arith.constant 80 : index
      %get3A_274 = tpu.vector_load %arg5[%get3A_272, %get3A_273] {strides = array<i32>} : memref<512x96xf32, #tpu.memory_space<vmem>>, vector<1x16xf32>,
      %get3A_275 = vector.shape_cast %get3A_274 : vector<1x16xf32> to vector<16xf32>
      %max3A_276 = arith.maximumf %max3A_242, %get3A_275 : vector<16xf32>
      %mul3A_277 = arith.constant 8 : i32
      %mul3A_278 = arith.muli %scan3A_136, %mul3A_277 : i32
      %add3A_279 = arith.constant 4 : i32
      %add3A_280 = arith.addi %mul3A_278, %add3A_279 : i32
      %get3A_281 = arith.index_cast %add3A_280 : i32 to index
      %get3A_282 = arith.constant 0 : index
      %get3A_283 = tpu.vector_load %arg5[%get3A_281, %get3A_282] {strides = array<i32>} : memref<512x96xf32, #tpu.memory_space<vmem>>, vector<1x16xf32>,
      %get3A_284 = vector.shape_cast %get3A_283 : vector<1x16xf32> to vector<16xf32>
      %max3A_285 = arith.maximumf %max3A_251, %get3A_284 : vector<16xf32>
      %get3A_286 = arith.index_cast %add3A_280 : i32 to index
      %get3A_287 = arith.constant 16 : index
      %get3A_288 = tpu.vector_load %arg5[%get3A_286, %get3A_287] {strides = array<i32>} : memref<512x96xf32, #tpu.memory_space<vmem>>, vector<1x16xf32>,
      %get3A_289 = vector.shape_cast %get3A_288 : vector<1x16xf32> to vector<16xf32>
      %max3A_290 = arith.maximumf %max3A_256, %get3A_289 : vector<16xf32>
      %get3A_291 = arith.index_cast %add3A_280 : i32 to index
      %get3A_292 = arith.constant 32 : index
      %get3A_293 = tpu.vector_load %arg5[%get3A_291, %get3A_292] {strides = array<i32>} : memref<512x96xf32, #tpu.memory_space<vmem>>, vector<1x16xf32>,
      %get3A_294 = vector.shape_cast %get3A_293 : vector<1x16xf32> to vector<16xf32>
      %max3A_295 = arith.maximumf %max3A_261, %get3A_294 : vector<16xf32>
      %get3A_296 = arith.index_cast %add3A_280 : i32 to index
      %get3A_297 = arith.constant 48 : index
      %get3A_298 = tpu.vector_load %arg5[%get3A_296, %get3A_297] {strides = array<i32>} : memref<512x96xf32, #tpu.memory_space<vmem>>, vector<1x16xf32>,
      %get3A_299 = vector.shape_cast %get3A_298 : vector<1x16xf32> to vector<16xf32>
      %max3A_300 = arith.maximumf %max3A_266, %get3A_299 : vector<16xf32>
      %get3A_301 = arith.index_cast %add3A_280 : i32 to index
      %get3A_302 = arith.constant 64 : index
      %get3A_303 = tpu.vector_load %arg5[%get3A_301, %get3A_302] {strides = array<i32>} : memref<512x96xf32, #tpu.memory_space<vmem>>, vector<1x16xf32>,
      %get3A_304 = vector.shape_cast %get3A_303 : vector<1x16xf32> to vector<16xf32>
      %max3A_305 = arith.maximumf %max3A_271, %get3A_304 : vector<16xf32>
      %get3A_306 = arith.index_cast %add3A_280 : i32 to index
      %get3A_307 = arith.constant 80 : index
      %get3A_308 = tpu.vector_load %arg5[%get3A_306, %get3A_307] {strides = array<i32>} : memref<512x96xf32, #tpu.memory_space<vmem>>, vector<1x16xf32>,
      %get3A_309 = vector.shape_cast %get3A_308 : vector<1x16xf32> to vector<16xf32>
      %max3A_310 = arith.maximumf %max3A_276, %get3A_309 : vector<16xf32>
      %mul3A_311 = arith.constant 8 : i32
      %mul3A_312 = arith.muli %scan3A_136, %mul3A_311 : i32
      %add3A_313 = arith.constant 5 : i32
      %add3A_314 = arith.addi %mul3A_312, %add3A_313 : i32
      %get3A_315 = arith.index_cast %add3A_314 : i32 to index
      %get3A_316 = arith.constant 0 : index
      %get3A_317 = tpu.vector_load %arg5[%get3A_315, %get3A_316] {strides = array<i32>} : memref<512x96xf32, #tpu.memory_space<vmem>>, vector<1x16xf32>,
      %get3A_318 = vector.shape_cast %get3A_317 : vector<1x16xf32> to vector<16xf32>
      %max3A_319 = arith.maximumf %max3A_285, %get3A_318 : vector<16xf32>
      %get3A_320 = arith.index_cast %add3A_314 : i32 to index
      %get3A_321 = arith.constant 16 : index
      %get3A_322 = tpu.vector_load %arg5[%get3A_320, %get3A_321] {strides = array<i32>} : memref<512x96xf32, #tpu.memory_space<vmem>>, vector<1x16xf32>,
      %get3A_323 = vector.shape_cast %get3A_322 : vector<1x16xf32> to vector<16xf32>
      %max3A_324 = arith.maximumf %max3A_290, %get3A_323 : vector<16xf32>
      %get3A_325 = arith.index_cast %add3A_314 : i32 to index
      %get3A_326 = arith.constant 32 : index
      %get3A_327 = tpu.vector_load %arg5[%get3A_325, %get3A_326] {strides = array<i32>} : memref<512x96xf32, #tpu.memory_space<vmem>>, vector<1x16xf32>,
      %get3A_328 = vector.shape_cast %get3A_327 : vector<1x16xf32> to vector<16xf32>
      %max3A_329 = arith.maximumf %max3A_295, %get3A_328 : vector<16xf32>
      %get3A_330 = arith.index_cast %add3A_314 : i32 to index
      %get3A_331 = arith.constant 48 : index
      %get3A_332 = tpu.vector_load %arg5[%get3A_330, %get3A_331] {strides = array<i32>} : memref<512x96xf32, #tpu.memory_space<vmem>>, vector<1x16xf32>,
      %get3A_333 = vector.shape_cast %get3A_332 : vector<1x16xf32> to vector<16xf32>
      %max3A_334 = arith.maximumf %max3A_300, %get3A_333 : vector<16xf32>
      %get3A_335 = arith.index_cast %add3A_314 : i32 to index
      %get3A_336 = arith.constant 64 : index
      %get3A_337 = tpu.vector_load %arg5[%get3A_335, %get3A_336] {strides = array<i32>} : memref<512x96xf32, #tpu.memory_space<vmem>>, vector<1x16xf32>,
      %get3A_338 = vector.shape_cast %get3A_337 : vector<1x16xf32> to vector<16xf32>
      %max3A_339 = arith.maximumf %max3A_305, %get3A_338 : vector<16xf32>
      %get3A_340 = arith.index_cast %add3A_314 : i32 to index
      %get3A_341 = arith.constant 80 : index
      %get3A_342 = tpu.vector_load %arg5[%get3A_340, %get3A_341] {strides = array<i32>} : memref<512x96xf32, #tpu.memory_space<vmem>>, vector<1x16xf32>,
      %get3A_343 = vector.shape_cast %get3A_342 : vector<1x16xf32> to vector<16xf32>
      %max3A_344 = arith.maximumf %max3A_310, %get3A_343 : vector<16xf32>
      %mul3A_345 = arith.constant 8 : i32
      %mul3A_346 = arith.muli %scan3A_136, %mul3A_345 : i32
      %add3A_347 = arith.constant 6 : i32
      %add3A_348 = arith.addi %mul3A_346, %add3A_347 : i32
      %get3A_349 = arith.index_cast %add3A_348 : i32 to index
      %get3A_350 = arith.constant 0 : index
      %get3A_351 = tpu.vector_load %arg5[%get3A_349, %get3A_350] {strides = array<i32>} : memref<512x96xf32, #tpu.memory_space<vmem>>, vector<1x16xf32>,
      %get3A_352 = vector.shape_cast %get3A_351 : vector<1x16xf32> to vector<16xf32>
      %max3A_353 = arith.maximumf %max3A_319, %get3A_352 : vector<16xf32>
      %get3A_354 = arith.index_cast %add3A_348 : i32 to index
      %get3A_355 = arith.constant 16 : index
      %get3A_356 = tpu.vector_load %arg5[%get3A_354, %get3A_355] {strides = array<i32>} : memref<512x96xf32, #tpu.memory_space<vmem>>, vector<1x16xf32>,
      %get3A_357 = vector.shape_cast %get3A_356 : vector<1x16xf32> to vector<16xf32>
      %max3A_358 = arith.maximumf %max3A_324, %get3A_357 : vector<16xf32>
      %get3A_359 = arith.index_cast %add3A_348 : i32 to index
      %get3A_360 = arith.constant 32 : index
      %get3A_361 = tpu.vector_load %arg5[%get3A_359, %get3A_360] {strides = array<i32>} : memref<512x96xf32, #tpu.memory_space<vmem>>, vector<1x16xf32>,
      %get3A_362 = vector.shape_cast %get3A_361 : vector<1x16xf32> to vector<16xf32>
      %max3A_363 = arith.maximumf %max3A_329, %get3A_362 : vector<16xf32>
      %get3A_364 = arith.index_cast %add3A_348 : i32 to index
      %get3A_365 = arith.constant 48 : index
      %get3A_366 = tpu.vector_load %arg5[%get3A_364, %get3A_365] {strides = array<i32>} : memref<512x96xf32, #tpu.memory_space<vmem>>, vector<1x16xf32>,
      %get3A_367 = vector.shape_cast %get3A_366 : vector<1x16xf32> to vector<16xf32>
      %max3A_368 = arith.maximumf %max3A_334, %get3A_367 : vector<16xf32>
      %get3A_369 = arith.index_cast %add3A_348 : i32 to index
      %get3A_370 = arith.constant 64 : index
      %get3A_371 = tpu.vector_load %arg5[%get3A_369, %get3A_370] {strides = array<i32>} : memref<512x96xf32, #tpu.memory_space<vmem>>, vector<1x16xf32>,
      %get3A_372 = vector.shape_cast %get3A_371 : vector<1x16xf32> to vector<16xf32>
      %max3A_373 = arith.maximumf %max3A_339, %get3A_372 : vector<16xf32>
      %get3A_374 = arith.index_cast %add3A_348 : i32 to index
      %get3A_375 = arith.constant 80 : index
      %get3A_376 = tpu.vector_load %arg5[%get3A_374, %get3A_375] {strides = array<i32>} : memref<512x96xf32, #tpu.memory_space<vmem>>, vector<1x16xf32>,
      %get3A_377 = vector.shape_cast %get3A_376 : vector<1x16xf32> to vector<16xf32>
      %max3A_378 = arith.maximumf %max3A_344, %get3A_377 : vector<16xf32>
      %mul3A_379 = arith.constant 8 : i32
      %mul3A_380 = arith.muli %scan3A_136, %mul3A_379 : i32
      %add3A_381 = arith.constant 7 : i32
      %add3A_382 = arith.addi %mul3A_380, %add3A_381 : i32
      %get3A_383 = arith.index_cast %add3A_382 : i32 to index
      %get3A_384 = arith.constant 0 : index
      %get3A_385 = tpu.vector_load %arg5[%get3A_383, %get3A_384] {strides = array<i32>} : memref<512x96xf32, #tpu.memory_space<vmem>>, vector<1x16xf32>,
      %get3A_386 = vector.shape_cast %get3A_385 : vector<1x16xf32> to vector<16xf32>
      %max3A_387 = arith.maximumf %max3A_353, %get3A_386 : vector<16xf32>
      %get3A_388 = arith.index_cast %add3A_382 : i32 to index
      %get3A_389 = arith.constant 16 : index
      %get3A_390 = tpu.vector_load %arg5[%get3A_388, %get3A_389] {strides = array<i32>} : memref<512x96xf32, #tpu.memory_space<vmem>>, vector<1x16xf32>,
      %get3A_391 = vector.shape_cast %get3A_390 : vector<1x16xf32> to vector<16xf32>
      %max3A_392 = arith.maximumf %max3A_358, %get3A_391 : vector<16xf32>
      %get3A_393 = arith.index_cast %add3A_382 : i32 to index
      %get3A_394 = arith.constant 32 : index
      %get3A_395 = tpu.vector_load %arg5[%get3A_393, %get3A_394] {strides = array<i32>} : memref<512x96xf32, #tpu.memory_space<vmem>>, vector<1x16xf32>,
      %get3A_396 = vector.shape_cast %get3A_395 : vector<1x16xf32> to vector<16xf32>
      %max3A_397 = arith.maximumf %max3A_363, %get3A_396 : vector<16xf32>
      %get3A_398 = arith.index_cast %add3A_382 : i32 to index
      %get3A_399 = arith.constant 48 : index
      %get3A_400 = tpu.vector_load %arg5[%get3A_398, %get3A_399] {strides = array<i32>} : memref<512x96xf32, #tpu.memory_space<vmem>>, vector<1x16xf32>,
      %get3A_401 = vector.shape_cast %get3A_400 : vector<1x16xf32> to vector<16xf32>
      %max3A_402 = arith.maximumf %max3A_368, %get3A_401 : vector<16xf32>
      %get3A_403 = arith.index_cast %add3A_382 : i32 to index
      %get3A_404 = arith.constant 64 : index
      %get3A_405 = tpu.vector_load %arg5[%get3A_403, %get3A_404] {strides = array<i32>} : memref<512x96xf32, #tpu.memory_space<vmem>>, vector<1x16xf32>,
      %get3A_406 = vector.shape_cast %get3A_405 : vector<1x16xf32> to vector<16xf32>
      %max3A_407 = arith.maximumf %max3A_373, %get3A_406 : vector<16xf32>
      %get3A_408 = arith.index_cast %add3A_382 : i32 to index
      %get3A_409 = arith.constant 80 : index
      %get3A_410 = tpu.vector_load %arg5[%get3A_408, %get3A_409] {strides = array<i32>} : memref<512x96xf32, #tpu.memory_space<vmem>>, vector<1x16xf32>,
      %get3A_411 = vector.shape_cast %get3A_410 : vector<1x16xf32> to vector<16xf32>
      %max3A_412 = arith.maximumf %max3A_378, %get3A_411 : vector<16xf32>
      scf.yield %max3A_387, %max3A_392, %max3A_397, %max3A_402, %max3A_407, %max3A_412 : vector<16xf32>, vector<16xf32>, vector<16xf32>, vector<16xf32>, vector<16xf32>, vector<16xf32>
    }
    %scan3A_112 = arith.constant 64 : i32
    %swap3A = arith.constant 0 : index
    %swap3A_113 = tpu.vector_load %arg6[%swap3A] {strides = array<i32>} : memref<96xf32, #tpu.memory_space<vmem>>, vector<16xf32>,
    %swap3A_114 = vector.shape_cast %swap3A_113 : vector<16xf32> to vector<16xf32>
    %swap3A_115 = vector.shape_cast %scan3A_111#0 : vector<16xf32> to vector<16xf32>
    tpu.vector_store %arg6[%swap3A], %swap3A_115 {strides = array<i32>} : memref<96xf32, #tpu.memory_space<vmem>>, vector<16xf32>,
    %swap3A_116 = arith.constant 16 : index
    %swap3A_117 = tpu.vector_load %arg6[%swap3A_116] {strides = array<i32>} : memref<96xf32, #tpu.memory_space<vmem>>, vector<16xf32>,
    %swap3A_118 = vector.shape_cast %swap3A_117 : vector<16xf32> to vector<16xf32>
    %swap3A_119 = vector.shape_cast %scan3A_111#1 : vector<16xf32> to vector<16xf32>
    tpu.vector_store %arg6[%swap3A_116], %swap3A_119 {strides = array<i32>} : memref<96xf32, #tpu.memory_space<vmem>>, vector<16xf32>,
    %swap3A_120 = arith.constant 32 : index
    %swap3A_121 = tpu.vector_load %arg6[%swap3A_120] {strides = array<i32>} : memref<96xf32, #tpu.memory_space<vmem>>, vector<16xf32>,
    %swap3A_122 = vector.shape_cast %swap3A_121 : vector<16xf32> to vector<16xf32>
    %swap3A_123 = vector.shape_cast %scan3A_111#2 : vector<16xf32> to vector<16xf32>
    tpu.vector_store %arg6[%swap3A_120], %swap3A_123 {strides = array<i32>} : memref<96xf32, #tpu.memory_space<vmem>>, vector<16xf32>,
    %swap3A_124 = arith.constant 48 : index
    %swap3A_125 = tpu.vector_load %arg6[%swap3A_124] {strides = array<i32>} : memref<96xf32, #tpu.memory_space<vmem>>, vector<16xf32>,
    %swap3A_126 = vector.shape_cast %swap3A_125 : vector<16xf32> to vector<16xf32>
    %swap3A_127 = vector.shape_cast %scan3A_111#3 : vector<16xf32> to vector<16xf32>
    tpu.vector_store %arg6[%swap3A_124], %swap3A_127 {strides = array<i32>} : memref<96xf32, #tpu.memory_space<vmem>>, vector<16xf32>,
    %swap3A_128 = arith.constant 64 : index
    %swap3A_129 = tpu.vector_load %arg6[%swap3A_128] {strides = array<i32>} : memref<96xf32, #tpu.memory_space<vmem>>, vector<16xf32>,
    %swap3A_130 = vector.shape_cast %swap3A_129 : vector<16xf32> to vector<16xf32>
    %swap3A_131 = vector.shape_cast %scan3A_111#4 : vector<16xf32> to vector<16xf32>
    tpu.vector_store %arg6[%swap3A_128], %swap3A_131 {strides = array<i32>} : memref<96xf32, #tpu.memory_space<vmem>>, vector<16xf32>,
    %swap3A_132 = arith.constant 80 : index
    %swap3A_133 = tpu.vector_load %arg6[%swap3A_132] {strides = array<i32>} : memref<96xf32, #tpu.memory_space<vmem>>, vector<16xf32>,
    %swap3A_134 = vector.shape_cast %swap3A_133 : vector<16xf32> to vector<16xf32>
    %swap3A_135 = vector.shape_cast %scan3A_111#5 : vector<16xf32> to vector<16xf32>
    tpu.vector_store %arg6[%swap3A_132], %swap3A_135 {strides = array<i32>} : memref<96xf32, #tpu.memory_space<vmem>>, vector<16xf32>,
    "tpu.region"() ({
      %run_scoped3A = tpu.sem_alloc : memref<!tpu.dma_semaphore, #tpu.memory_space<semaphore_mem>>
      %dma_start3A_136 = tpu.memref_slice %arg3[%select_n3A, %mul3A_32] : memref<4x768xf32, #tpu.memory_space<hbm>> -> memref<1x96xf32, #tpu.memory_space<hbm>>
      %dma_start3A_137 = tpu.memref_squeeze %dma_start3A_136 : memref<1x96xf32, #tpu.memory_space<hbm>> -> memref<96xf32, #tpu.memory_space<hbm>>
      %dma_start3A_138 = tpu.memref_slice %arg3[%select_n3A, %mul3A_32] : memref<4x768xf32, #tpu.memory_space<hbm>> -> memref<1x96xf32, #tpu.memory_space<hbm>>
      %dma_start3A_139 = tpu.memref_squeeze %dma_start3A_138 : memref<1x96xf32, #tpu.memory_space<hbm>> -> memref<96xf32, #tpu.memory_space<hbm>>
      tpu.enqueue_dma source(%arg6 : memref<96xf32, #tpu.memory_space<vmem>>) target(%dma_start3A_139 : memref<96xf32, #tpu.memory_space<hbm>>) target_semaphore(%run_scoped3A : memref<!tpu.dma_semaphore, #tpu.memory_space<semaphore_mem>>)
      %dma_wait3A_140 = tpu.memref_slice %arg3[%select_n3A, %mul3A_32] : memref<4x768xf32, #tpu.memory_space<hbm>> -> memref<1x96xf32, #tpu.memory_space<hbm>>
      %dma_wait3A_141 = tpu.memref_squeeze %dma_wait3A_140 : memref<1x96xf32, #tpu.memory_space<hbm>> -> memref<96xf32, #tpu.memory_space<hbm>>
      %dma_wait3A_142 = tpu.memref_slice %arg3[%select_n3A, %mul3A_32] : memref<4x768xf32, #tpu.memory_space<hbm>> -> memref<1x96xf32, #tpu.memory_space<hbm>>
      %dma_wait3A_143 = tpu.memref_squeeze %dma_wait3A_142 : memref<1x96xf32, #tpu.memory_space<hbm>> -> memref<96xf32, #tpu.memory_space<hbm>>
      tpu.wait_dma2 semaphore(%run_scoped3A : memref<!tpu.dma_semaphore, #tpu.memory_space<semaphore_mem>>) src(%arg6 : memref<96xf32, #tpu.memory_space<vmem>>) dst(%dma_wait3A_143 : memref<96xf32, #tpu.memory_space<hbm>>)
      tpu.yield
    }) : () -> ()
    return
  }
}

module attributes {stable_mosaic.version = 14 : i64} {
  func.func @_tail_body(%arg0: memref<4x768xf32, #tpu.memory_space<vmem>>, %arg1: memref<10x768xf32, #tpu.memory_space<vmem>>, %arg2: memref<4x2xi32, #tpu.memory_space<vmem>>, %arg3: memref<4x10xf32, #tpu.memory_space<vmem>>, %arg4: memref<2x4x768xf32, #tpu.memory_space<vmem>>, %arg5: memref<1x1xf32, #tpu.memory_space<vmem>>) attributes {dimension_semantics = [], scalar_prefetch = 0 : i64, scratch_operands = 0 : i64, tpu.core_type = #tpu.core_type<tc>} {
    %get3A = arith.constant 0 : index
    %get3A_0 = arith.constant 0 : index
    %get3A_1 = vector.load %arg0[%get3A, %get3A_0] : memref<4x768xf32, #tpu.memory_space<vmem>>, vector<4x768xf32>
    %get3A_2 = arith.constant 0 : index
    %get3A_3 = arith.constant 0 : index
    %get3A_4 = vector.load %arg1[%get3A_2, %get3A_3] : memref<10x768xf32, #tpu.memory_space<vmem>>, vector<10x768xf32>
    %mul3A = arith.mulf %get3A_4, %get3A_4 : vector<10x768xf32>
    %reduce_sum3A = arith.constant dense<0.000000e+00> : vector<10xf32>
    %reduce_sum3A_5 = vector.multi_reduction <add>, %mul3A, %reduce_sum3A [1] : vector<10x768xf32> to vector<10xf32>
    %broadcast_in_dim3A = vector.shape_cast %reduce_sum3A_5 : vector<10xf32> to vector<10x1xf32>
    %max3A = arith.constant 9.99999996E-13 : f32
    %max3A_6 = vector.broadcast %max3A : f32 to vector<10x1xf32>
    %max3A_7 = arith.maximumf %broadcast_in_dim3A, %max3A_6 : vector<10x1xf32>
    %rsqrt3A = math.rsqrt %max3A_7 : vector<10x1xf32>
    %mul3A_8 = vector.broadcast %rsqrt3A : vector<10x1xf32> to vector<10x768xf32>
    %mul3A_9 = arith.mulf %get3A_4, %mul3A_8 : vector<10x768xf32>
    %mul3A_10 = arith.mulf %get3A_1, %get3A_1 : vector<4x768xf32>
    %reduce_sum3A_11 = arith.constant dense<0.000000e+00> : vector<4xf32>
    %reduce_sum3A_12 = vector.multi_reduction <add>, %mul3A_10, %reduce_sum3A_11 [1] : vector<4x768xf32> to vector<4xf32>
    %broadcast_in_dim3A_13 = vector.shape_cast %reduce_sum3A_12 : vector<4xf32> to vector<4x1xf32>
    %max3A_14 = arith.constant 9.99999996E-13 : f32
    %max3A_15 = vector.broadcast %max3A_14 : f32 to vector<4x1xf32>
    %max3A_16 = arith.maximumf %broadcast_in_dim3A_13, %max3A_15 : vector<4x1xf32>
    %rsqrt3A_17 = math.rsqrt %max3A_16 : vector<4x1xf32>
    %mul3A_18 = vector.broadcast %rsqrt3A_17 : vector<4x1xf32> to vector<4x768xf32>
    %mul3A_19 = arith.mulf %get3A_1, %mul3A_18 : vector<4x768xf32>
    %dot_general3A = arith.constant dense<0.000000e+00> : vector<4x10xf32>
    %dot_general3A_20 = tpu.matmul %mul3A_19, %mul3A_9, %dot_general3A {dimension_numbers = #tpu.dot_dimension_numbers<[1], [1], [0], [0], [0, 0, 1, 0], [], []>, transpose_lhs_hint = false} : vector<4x768xf32>, vector<10x768xf32>, vector<4x10xf32> -> vector<4x10xf32>
    %iota3A = tpu.iota {dimensions = array<i32: 1>} : vector<4x10xi32>
    %reduce_max3A = arith.constant dense<0xFF800000> : vector<4xf32>
    %reduce_max3A_21 = vector.multi_reduction <maximumf>, %dot_general3A_20, %reduce_max3A [1] : vector<4x10xf32> to vector<4xf32>
    %broadcast_in_dim3A_22 = vector.shape_cast %reduce_max3A_21 : vector<4xf32> to vector<4x1xf32>
    %eq3A = vector.broadcast %broadcast_in_dim3A_22 : vector<4x1xf32> to vector<4x10xf32>
    %eq3A_23 = arith.cmpf oeq, %dot_general3A_20, %eq3A : vector<4x10xf32>
    %jit3A = arith.constant 10 : i32
    %broadcast_in_dim3A_24 = vector.broadcast %jit3A : i32 to vector<4x10xi32>
    %select_n3A = arith.select %eq3A_23, %iota3A, %broadcast_in_dim3A_24 : vector<4x10xi1>, vector<4x10xi32>
    %reduce_min3A = arith.constant dense<2147483647> : vector<4xi32>
    %reduce_min3A_25 = vector.multi_reduction <minsi>, %select_n3A, %reduce_min3A [1] : vector<4x10xi32> to vector<4xi32>
    %broadcast_in_dim3A_26 = vector.shape_cast %reduce_min3A_25 : vector<4xi32> to vector<4x1xi32>
    %eq3A_27 = vector.broadcast %broadcast_in_dim3A_26 : vector<4x1xi32> to vector<4x10xi32>
    %eq3A_28 = arith.cmpi eq, %iota3A, %eq3A_27 : vector<4x10xi32>
    %jit3A_29 = arith.constant 0xFF800000 : f32
    %broadcast_in_dim3A_30 = vector.broadcast %jit3A_29 : f32 to vector<4x10xf32>
    %select_n3A_31 = arith.select %eq3A_28, %broadcast_in_dim3A_30, %dot_general3A_20 : vector<4x10xi1>, vector<4x10xf32>
    %reduce_max3A_32 = arith.constant dense<0xFF800000> : vector<4xf32>
    %reduce_max3A_33 = vector.multi_reduction <maximumf>, %select_n3A_31, %reduce_max3A_32 [1] : vector<4x10xf32> to vector<4xf32>
    %broadcast_in_dim3A_34 = vector.shape_cast %reduce_max3A_33 : vector<4xf32> to vector<4x1xf32>
    %eq3A_35 = vector.broadcast %broadcast_in_dim3A_34 : vector<4x1xf32> to vector<4x10xf32>
    %eq3A_36 = arith.cmpf oeq, %select_n3A_31, %eq3A_35 : vector<4x10xf32>
    %jit3A_37 = arith.constant 10 : i32
    %broadcast_in_dim3A_38 = vector.broadcast %jit3A_37 : i32 to vector<4x10xi32>
    %select_n3A_39 = arith.select %eq3A_36, %iota3A, %broadcast_in_dim3A_38 : vector<4x10xi1>, vector<4x10xi32>
    %reduce_min3A_40 = arith.constant dense<2147483647> : vector<4xi32>
    %reduce_min3A_41 = vector.multi_reduction <minsi>, %select_n3A_39, %reduce_min3A_40 [1] : vector<4x10xi32> to vector<4xi32>
    %broadcast_in_dim3A_42 = vector.shape_cast %reduce_min3A_41 : vector<4xi32> to vector<4x1xi32>
    %concatenate3A = tpu.concatenate %broadcast_in_dim3A_26, %broadcast_in_dim3A_42 in 1 : vector<4x1xi32>, vector<4x1xi32> -> vector<4x2xi32>
    %eq3A_43 = vector.broadcast %broadcast_in_dim3A_26 : vector<4x1xi32> to vector<4x10xi32>
    %eq3A_44 = arith.cmpi eq, %iota3A, %eq3A_43 : vector<4x10xi32>
    %convert_element_type3A = arith.extui %eq3A_44 : vector<4x10xi1> to vector<4x10xi32>
    %convert_element_type3A_45 = arith.sitofp %convert_element_type3A : vector<4x10xi32> to vector<4x10xf32>
    %eq3A_46 = vector.broadcast %broadcast_in_dim3A_42 : vector<4x1xi32> to vector<4x10xi32>
    %eq3A_47 = arith.cmpi eq, %iota3A, %eq3A_46 : vector<4x10xi32>
    %convert_element_type3A_48 = arith.extui %eq3A_47 : vector<4x10xi1> to vector<4x10xi32>
    %convert_element_type3A_49 = arith.sitofp %convert_element_type3A_48 : vector<4x10xi32> to vector<4x10xf32>
    %dot_general3A_50 = arith.constant dense<0.000000e+00> : vector<4x768xf32>
    %dot_general3A_51 = tpu.matmul %convert_element_type3A_45, %mul3A_9, %dot_general3A_50 {dimension_numbers = #tpu.dot_dimension_numbers<[1], [0], [0], [1], [0, 0, 1, 1], [], []>, transpose_lhs_hint = false} : vector<4x10xf32>, vector<10x768xf32>, vector<4x768xf32> -> vector<4x768xf32>
    %dot_general3A_52 = arith.constant dense<0.000000e+00> : vector<4x768xf32>
    %dot_general3A_53 = tpu.matmul %convert_element_type3A_49, %mul3A_9, %dot_general3A_52 {dimension_numbers = #tpu.dot_dimension_numbers<[1], [0], [0], [1], [0, 0, 1, 1], [], []>, transpose_lhs_hint = false} : vector<4x10xf32>, vector<10x768xf32>, vector<4x768xf32> -> vector<4x768xf32>
    %swap3A = arith.constant 0 : index
    %swap3A_54 = arith.constant 0 : index
    %swap3A_55 = vector.load %arg2[%swap3A, %swap3A_54] : memref<4x2xi32, #tpu.memory_space<vmem>>, vector<4x2xi32>
    tpu.vector_store %arg2[%swap3A, %swap3A_54], %concatenate3A {strides = array<i32>} : memref<4x2xi32, #tpu.memory_space<vmem>>, vector<4x2xi32>,
    %swap3A_56 = arith.constant 0 : index
    %swap3A_57 = arith.constant 0 : index
    %swap3A_58 = vector.load %arg3[%swap3A_56, %swap3A_57] : memref<4x10xf32, #tpu.memory_space<vmem>>, vector<4x10xf32>
    tpu.vector_store %arg3[%swap3A_56, %swap3A_57], %dot_general3A_20 {strides = array<i32>} : memref<4x10xf32, #tpu.memory_space<vmem>>, vector<4x10xf32>,
    %swap3A_59 = arith.constant 0 : index
    %swap3A_60 = arith.constant 0 : index
    %swap3A_61 = arith.constant 0 : index
    %swap3A_62 = vector.load %arg4[%swap3A_59, %swap3A_60, %swap3A_61] : memref<2x4x768xf32, #tpu.memory_space<vmem>>, vector<1x4x768xf32>
    %swap3A_63 = vector.shape_cast %swap3A_62 : vector<1x4x768xf32> to vector<4x768xf32>
    %swap3A_64 = vector.shape_cast %dot_general3A_51 : vector<4x768xf32> to vector<1x4x768xf32>
    tpu.vector_store %arg4[%swap3A_59, %swap3A_60, %swap3A_61], %swap3A_64 {strides = array<i32>} : memref<2x4x768xf32, #tpu.memory_space<vmem>>, vector<1x4x768xf32>,
    %swap3A_65 = arith.constant 1 : index
    %swap3A_66 = arith.constant 0 : index
    %swap3A_67 = arith.constant 0 : index
    %swap3A_68 = vector.load %arg4[%swap3A_65, %swap3A_66, %swap3A_67] : memref<2x4x768xf32, #tpu.memory_space<vmem>>, vector<1x4x768xf32>
    %swap3A_69 = vector.shape_cast %swap3A_68 : vector<1x4x768xf32> to vector<4x768xf32>
    %swap3A_70 = vector.shape_cast %dot_general3A_53 : vector<4x768xf32> to vector<1x4x768xf32>
    tpu.vector_store %arg4[%swap3A_65, %swap3A_66, %swap3A_67], %swap3A_70 {strides = array<i32>} : memref<2x4x768xf32, #tpu.memory_space<vmem>>, vector<1x4x768xf32>,
    %reduce_sum3A_71 = vector.shape_cast %broadcast_in_dim3A_22 : vector<4x1xf32> to vector<1x4x1xf32>
    %reduce_sum3A_72 = arith.constant dense<0.000000e+00> : vector<1xf32>
    %reduce_sum3A_73 = vector.multi_reduction <add>, %reduce_sum3A_71, %reduce_sum3A_72 [1, 2] : vector<1x4x1xf32> to vector<1xf32>
    %reduce_sum3A_74 = vector.shape_cast %reduce_sum3A_73 : vector<1xf32> to vector<1x1x1xf32>
    %reduce_sum3A_75 = vector.extract %reduce_sum3A_74[0, 0, 0] : f32 from vector<1x1x1xf32>
    %reduce_sum3A_76 = vector.shape_cast %broadcast_in_dim3A_34 : vector<4x1xf32> to vector<1x4x1xf32>
    %reduce_sum3A_77 = arith.constant dense<0.000000e+00> : vector<1xf32>
    %reduce_sum3A_78 = vector.multi_reduction <add>, %reduce_sum3A_76, %reduce_sum3A_77 [1, 2] : vector<1x4x1xf32> to vector<1xf32>
    %reduce_sum3A_79 = vector.shape_cast %reduce_sum3A_78 : vector<1xf32> to vector<1x1x1xf32>
    %reduce_sum3A_80 = vector.extract %reduce_sum3A_79[0, 0, 0] : f32 from vector<1x1x1xf32>
    %add3A = arith.addf %reduce_sum3A_75, %reduce_sum3A_80 : f32
    %div3A = arith.constant 4.000000e+00 : f32
    %div3A_81 = arith.divf %add3A, %div3A : f32
    %broadcast_in_dim3A_82 = vector.broadcast %div3A_81 : f32 to vector<1x1xf32>
    %swap3A_83 = arith.constant 0 : index
    %swap3A_84 = arith.constant 0 : index
    %swap3A_85 = vector.load %arg5[%swap3A_83, %swap3A_84] : memref<1x1xf32, #tpu.memory_space<vmem>>, vector<1x1xf32>
    tpu.vector_store %arg5[%swap3A_83, %swap3A_84], %broadcast_in_dim3A_82 {strides = array<i32>} : memref<1x1xf32, #tpu.memory_space<vmem>>, vector<1x1xf32>,
    return
  }
}

</mosaic_0001>

<sc_bundles>
// kernel: kernel.4.cloned.1.call-start
scs
__scs_entry_jumppad:
0x0: {  	(pc) =	sbr.rel $0x88, $3  }
0x1: {  	(tag) =	ssettag $0x0;
	lr =	simm.s32 $0x1  }
0x2: {  	[smem:$0x3F9F] =	sst lr;
	_ =	strace $0xD0000000  }
0x3: {  	_ = 	snop  }
0x4: {  	_ = 	snop  }
0x5: {  	_ = 	snop  }
0x6: {  	_ = 	snop  }
0x7: {  	_ = 	snop  }
__scs_overlays_trampoline_lowered:
0x8: {  	[smem:$0x3FAE] =	sst s0  }
0x9: {  	[smem:$0x3FAF] =	sst s1  }
0xa: {  	[smem:$0x3FB0] =	sst s2  }
0xb: {  	[smem:$0x3FB1] =	sst s3  }
0xc: {  	[smem:$0x3FB2] =	sst s4  }
0xd: {  	[smem:$0x3FB3] =	sst s5  }
0xe: {  	[smem:$0x3FB4] =	sst s6  }
0xf: {  	[smem:$0x3FB5] =	sst s7  }
0x10: {  	[smem:$0x3FB6] =	sst s8  }
0x11: {  	[smem:$0x3FB7] =	sst s9;
	s0 =	simm.s32 @!p0 $0x0  }
0x12: {  	s1 =	sld [smem:$0x3F9D];
	s0 =	simm.s32 @p0 $0x1  }
0x13: {  	[smem:$0x3FB8] =	sst s0;
	s0 =	simm.s32 @!p1 $0x0  }
0x14: {  	s2 =	sld [smem:$0x3F9C];
	s0 =	simm.s32 @p1 $0x1  }
0x15: {  	[smem:$0x3FB9] =	sst s0;
	s0 =	simm.s32 @!p2 $0x0  }
0x16: {  	s3 =	sld [smem:$0x3FDB];
	s0 =	simm.s32 @p2 $0x1  }
0x17: {  	s4 =	simm.s32 $0x1BF5;
	[smem:$0x3FBB] =	sst s0  }
0x18: {  	s0 =	sld [smem:$0x3F9E];
	_ =	swait.ge [sflag:s4], $0x0  }
0x19: {  	s7 =	sld [smem:$0x3F9F]  }
0x1a: {  	s8 =	sadd.s32 $0xFFFFE003, lr  }
0x1b: {  	s9 =	sadd.s32 $0xFFFFFEF7, lr;
	s5 =	simm.s32 $0xFFFFFFFF;
	p2 =	slt.u32 s8, $0xFFFFF086  }
0x1c: {  	p1 =	slt.u32 s9, $0xF7A;
	s5 =	simm.s32 @!p2 $0x0  }
0x1d: {  	s5 =	simm.s32 @p1 $0x1;
	p0 =	seq.s32 s7, s2  }
0x1e: {  	s7 =	smul.u32 @!p0 $0xF7A, s2;
	p2 =	seq.s32 @!p0 s5, $0x0  }
0x1f: {  	s9 =	smul.u32 $0xF7A, s1;
	s8 =	simm.s32 @!p0 $0x1BF5;
	p2 =	por !p2, p0  }
0x20: {  	[sflag:s8] =	ssyncset.s32 @!p0 $0xFFFFF086;
	s6 =	sadd.s32 @!p0 s3, s7;
	s7 =	simm.s32 @!p0 $0x108  }
0x21: {  	s3 =	sadd.s32 s3, s9;
	s6 =	sadd.s32 @!p0 $0x88, s6;
	s7 =	simm.s32 @p2 $0x1082  }
0x22: {  	[simem:s7], [sflag:s8] =	dma.local @!p0 [hbm:s6], $0xF7A  }
0x23: {  	s9 =	sor.u32 $0xD0000000, s2;
	s6 =	simm.s32 $0x108;
	_ =	swait.ge @!p0 [sflag:s8], $0x0  }
0x24: {  	s3 =	sadd.s32 $0x88, s3;
	s6 =	simm.s32 @!p1 $0x1082;
	[sflag:s4] =	ssyncset.s32 $0xFFFFF086  }
0x25: {  	[simem:s6], [sflag:s4] =	dma.local [hbm:s3], $0xF7A  }
0x26: {  	[smem:$0x3F9F] =	sst s1;
	(tag) =	ssettag s2;
	_ =	strace s9  }
0x27: {  	s1 =	sld [smem:$0x3FAF]  }
0x28: {  	s2 =	sld [smem:$0x3FB0]  }
0x29: {  	s4 =	sld [smem:$0x3FB2]  }
0x2a: {  	p0 =	seq.s32 s5, $0x0;
	s5 =	sld [smem:$0x3FB3]  }
0x2b: {  	s6 =	sld [smem:$0x3FB4]  }
0x2c: {  	s7 =	sld [smem:$0x3FB5]  }
0x2d: {  	s3 =	simm.s32 $0x108;
	s8 =	sld [smem:$0x3FB6]  }
0x2e: {  	s3 =	simm.s32 @!p0 $0x1082;
	s9 =	sld [smem:$0x3FB7]  }
0x2f: {  	lr =	sadd.s32 s0, s3;
	s0 =	sld [smem:$0x3FAE]  }
0x30: {  	s3 =	sld [smem:$0x3FB1]  }
0x31: {  	[smem:$0x3FBA] =	sst s10  }
0x32: {  	s10 =	sld [smem:$0x3FB8];
	_ =	sdelay $0x3  }
0x33: {  	p0 =	seq.s32 s10, $0x1;
	s10 =	sld [smem:$0x3FBA];
	_ =	sdelay $0x3  }
0x34: {  	[smem:$0x3FBA] =	sst s10  }
0x35: {  	s10 =	sld [smem:$0x3FB9];
	_ =	sdelay $0x3  }
0x36: {  	p1 =	seq.s32 s10, $0x1;
	s10 =	sld [smem:$0x3FBA];
	_ =	sdelay $0x3  }
0x37: {  	[smem:$0x3FBA] =	sst s10  }
0x38: {  	s10 =	sld [smem:$0x3FBB]  }
0x39: {  	_ = 	snop;
	(pc) =	sbr.ind lr, $3  }
0x3a: {  	_ = 	snop  }
0x3b: {  	_ = 	snop  }
0x3c: {  	p2 =	seq.s32 s10, $0x1;
	s10 =	sld [smem:$0x3FBA]  }
0x3d: {  	_ =	shalt  }
0x3e: {  	_ =	shalt  }
0x3f: {  	_ =	shalt  }
0x40: {  	_ =	shalt  }
0x41: {  	_ =	shalt  }
0x42: {  	_ =	shalt  }
0x43: {  	_ =	shalt  }
0x44: {  	_ =	shalt  }
0x45: {  	_ =	shalt  }
0x46: {  	_ =	shalt  }
0x47: {  	_ =	shalt  }
0x48: {  	_ =	shalt  }
0x49: {  	_ =	shalt  }
0x4a: {  	_ =	shalt  }
0x4b: {  	_ =	shalt  }
0x4c: {  	_ =	shalt  }
0x4d: {  	_ =	shalt  }
0x4e: {  	_ =	shalt  }
0x4f: {  	_ =	shalt  }
0x50: {  	_ =	shalt  }
0x51: {  	_ =	shalt  }
0x52: {  	_ =	shalt  }
0x53: {  	_ =	shalt  }
0x54: {  	_ =	shalt  }
0x55: {  	_ =	shalt  }
0x56: {  	_ =	shalt  }
0x57: {  	_ =	shalt  }
0x58: {  	_ =	shalt  }
0x59: {  	_ =	shalt  }
0x5a: {  	_ =	shalt  }
0x5b: {  	_ =	shalt  }
0x5c: {  	_ =	shalt  }
0x5d: {  	_ =	shalt  }
0x5e: {  	_ =	shalt  }
0x5f: {  	_ =	shalt  }
0x60: {  	_ =	shalt  }
0x61: {  	_ =	shalt  }
0x62: {  	_ =	shalt  }
0x63: {  	_ =	shalt  }
0x64: {  	_ =	shalt  }
0x65: {  	_ =	shalt  }
0x66: {  	_ =	shalt  }
0x67: {  	_ =	shalt  }
0x68: {  	_ =	shalt  }
0x69: {  	_ =	shalt  }
0x6a: {  	_ =	shalt  }
0x6b: {  	_ =	shalt  }
0x6c: {  	_ =	shalt  }
0x6d: {  	_ =	shalt  }
0x6e: {  	_ =	shalt  }
0x6f: {  	_ =	shalt  }
0x70: {  	_ =	shalt  }
0x71: {  	_ =	shalt  }
0x72: {  	_ =	shalt  }
0x73: {  	_ =	shalt  }
0x74: {  	_ =	shalt  }
0x75: {  	_ =	shalt  }
0x76: {  	_ =	shalt  }
0x77: {  	_ =	shalt  }
0x78: {  	_ =	shalt  }
0x79: {  	_ =	shalt  }
0x7a: {  	_ =	shalt  }
0x7b: {  	_ =	shalt  }
0x7c: {  	_ =	shalt  }
0x7d: {  	_ =	shalt  }
0x7e: {  	_ =	shalt  }
0x7f: {  	_ =	shalt  }
0x80: {  	_ =	shalt  }
0x81: {  	_ =	shalt  }
0x82: {  	_ =	shalt  }
0x83: {  	_ =	shalt  }
0x84: {  	_ =	shalt  }
0x85: {  	_ =	shalt  }
0x86: {  	_ =	shalt  }
0x87: {  	_ =	shalt  }
.Lfunc_end0:
.L_simem_size_0:
called_computation_lowered:
.L_overlay_start_0:
0x88: {  	s2 =	sld [smem:$0x3FD9]  }
0x89: {  	s3 =	sld [smem:$0x3FFE];
	_ =	sdelay $0x1  }
0x8a: {  	s1 =	srdreg.scid  }
0x8b: {  	s0 =	sand.u32 $0x1, s1  }
0x8c: {  	s14 =	sshll.u32 s0, $0xA;
	s2 =	sadd.s32 s3, s2  }
0x8d: {  	s2 =	sadd.s32 s2, s14  }
0x8e: {  	[smem:$0x3FC6] =	sst s2  }
0x8f: {  	_ = 	snop  }
0x90: {  	s2 =	sld [smem:$0x3FD0];
	_ =	sdelay $0x2  }
0x91: {  	s15 =	simm.s32 $0xA;
	s4 =	simm.s32 $0x10  }
0x92: {  	[smem:s4], [sflag:s15] =	dma.local [hbm:s2], $0x1  }
0x93: {  	_ =	swait.eq [sflag:s15], $0x1  }
0x94: {  	[sflag:s15] =	ssyncset.done $0x0  }
0x95: {  	[sflag:s15] =	ssyncadd.s32 $0xFFFFFFFF  }
0x96: {  	s16 =	sld [smem:$0x12];
	(tm) =	ssettm $0x1  }
0x97: {  	s17 =	sld [smem:$0x3FFB];
	_ =	sdelay $0x3  }
0x98: {  	_ =	strace s17  }
0x99: {  	s3 =	sld [smem:$0x3FFC];
	_ =	sdelay $0x3  }
0x9a: {  	_ =	strace s3  }
0x9b: {  	s3 =	sld [smem:$0x3FFD];
	_ =	sdelay $0x3  }
0x9c: {  	_ =	strace s3  }
0x9d: {  	_ =	strace $0x8FFFFFFF  }
0x9e: {  	s18 =	sld [smem:$0x3FDB];
	_ =	sdelay $0x1  }
0x9f: {  	s19 =	simm.s32 $_scs_section_size  }
0xa0: {  	s5 =	simm.s32 $_size__tile_overlayer_lowered;
	s6 =	simm.s32 $_tile_overlayer_lowered  }
0xa1: {  	s22 =	simm.s32 $0x1BFF;
	s21 =	sshll.u32 s6, $0x1;
	s3 =	sadd.s32 s19, s18  }
0xa2: {  	s7 =	simm.s32 $0x0;
	s20 =	sshll.u32 s5, $0x1;
	s5 =	sadd.s32 s21, s3  }
0xa3: {  	[timem:s7], [sflag:s22] =	dma.local [hbm:s5], s20  }
0xa4: {  	_ =	swait.ge [sflag:s22], s20  }
0xa5: {  	s4 =	ssub.s32 $0x0, s20;
	[sflag:s22] =	ssyncset.done $0x0  }
0xa6: {  	[sflag:s22] =	ssyncadd.s32 s4;
	_ =	sdelay $0x1  }
0xa7: {  	s23 =	simm.s32 $0x1B8B  }
0xa8: {  	_ =	swait.ge [sflag:s23], $0x1  }
0xa9: {  	[sflag:s23] =	ssyncset.done $0x0  }
0xaa: {  	s25 =	simm.s32 $0x1B8E;
	s24 =	sld [smem:$0x3FFE];
	[sflag:s23] =	ssyncadd.s32 $0xFFFFFFFF  }
0xab: {  	s26 =	simm.s32 $execute0_lowered;
	[smem:$0x3FD2] =	sst s25  }
0xac: {  	s5 =	sshll.u32 s26, $0x1;
	_ =	strace $0x80000046;
	[dreg:$0x1] =	wrdreg $0xFFFFFFFF  }
0xad: {  	s28 =	simm.s32 $_size_execute0_lowered;
	s3 =	sadd.s32 s3, s5;
	[dreg:$0x0] =	wrdreg $0x0  }
0xae: {  	s5 =	sshll.u32 s28, $0x1;
	[dreg:$0x2] =	wrdreg s3  }
0xaf: {  	[dreg:$0x3] =	wrdreg s5  }
0xb0: {  	[dreg:$0x4] =	wrdreg $0xC0  }
0xb1: {  	_ =	task [dreg:s7], $0x5FFFF  }
0xb2: {  	[dreg:$0x1] =	wrdreg $0xFFFFFFFF  }
0xb3: {  	[dreg:$0x0] =	wrdreg $0x60  }
0xb4: {  	[dreg:$0x2] =	wrdreg s24  }
0xb5: {  	[dreg:$0x3] =	wrdreg s16  }
0xb6: {  	[dreg:$0x4] =	wrdreg $0x9  }
0xb7: {  	_ =	task.clear_ibuf [dreg:s7], $0x5FFFF;
	_ =	strace $0x90000046  }
0xb8: {  	s29 =	simm.s32 $0x9;
	_ =	strace $0x80000048  }
0xb9: {  	_ =	swait.ge [sflag:s29], $0x1  }
0xba: {  	[sflag:s29] =	ssyncadd.s32 $0xFFFFFFFF  }
0xbb: {  	_ =	strace $0x90000048  }
0xbc: {  	_ =	sfence  }
0xbd: {  	s30 =	sld [smem:$0x0];
	_ =	sdelay $0x2  }
0xbe: {  	s31 =	sshll.u32 s1, $0xD;
	s1 =	sshrl.u32 s1, $0x2  }
0xbf: {  	s3 =	sand.u32 $0x4000, s31;
	s1 =	sadd.s32 s1, s30  }
0xc0: {  	s0 =	sor.u32 s3, s0;
	s1 =	sshll.u32 s1, $0x11  }
0xc1: {  	s0 =	sor.u32 s1, s0  }
0xc2: {  	s0 =	sadd.s32 $0x8F2B, s0  }
0xc3: {  	[sflag:s0] =	ssyncadd.remote.s32 $0x1  }
0xc4: {  	_ =	sfence.sel $0xFFFF  }
0xc5: {  	[dreg:$0x0] =	wrdreg $0xFFFFFFFF;
	(pc) =	sbr.abs _section_cstart, $3  }
0xc6: {  	[dreg:$0x1] =	wrdreg $0xFFFFFFFF  }
0xc7: {  	_ =	task.clear_ibuf [dreg:s7], $0x2FFFF;
	_ =	strace $0x9FFFFFFF  }
0xc8: {  	(tm) =	ssettm $0x7FFFFFFF  }
0xc9: {  	_ =	shalt  }
tec
execute0_lowered:
.L_overlay_start_1:
0x0: {  	(tag) =	ssettag $0x1  }
0x1: {  	s0 =	stileid.u32;
	s3 =	rddreg [dreg:$0x0]  }
0x2: {  	s1 =	srdreg.scid;
	s7 =	rddreg [dreg:$0x1];
	s11 =	simm.s32 $0xC000  }
0x3: {  	s12 =	simm.s32 $0x1;
	s13 =	simm.s32 $0x2;
	s14 =	simm.s32 $0x18000  }
0x4: {  	s15 =	simm.s32 $0x3;
	s2 =	sshll.u32 s0, $0x1;
	s5 =	sshrl.u32 s0, $0x2  }
0x5: {  	s4 =	sand.u32 $0x1, s1;
	s31 =	sand.u32 $0x6, s2;
	s8 =	smul.u32 $0x180000, s5  }
0x6: {  	s2 =	simm.s32 $0x0;
	s5 =	smul.u32 $0x300, s5;
	s6 =	sor.u32 s4, s31  }
0x7: {  	s16 =	simm.s32 $0x0;
	[smem:$0x7FF] =	sst s2;
	s6 =	smul.u32 $0x60, s6  }
0x8: {  	s1 =	rddreg [dreg:$0x2];
	s4 =	ssub.s32 $0x2, s4;
	_ =	strace $0x80000047  }
0x9: {  	s9 =	sshrl.u32 s4, $0x1;
	s8 =	sor.u32 s8, s6;
	s5 =	sadd.s32 s5, s6  }
0xa: {  	s9 =	ssub.s32 s4, s9;
	s8 =	sshrl.u32 s8, $0x3;
	s10 =	sshrl.u32 s5, $0x3  }
0xb: {  	s8 =	sadd.s32 s8, s3;
	s7 =	sadd.s32 s7, s10;
	s10 =	simm.s32 $0x300  }
0xc: {  	s3 =	sadd.s32 $0x800, s8;
	s4 =	sadd.s32 $0xC800, s8;
	s5 =	sadd.s32 $0x18800, s8  }
0xd: {  	s6 =	sadd.s32 $0x24800, s8;
	s8 =	smax.u32 s9, $0x1;
	s9 =	simm.s32 $0x60  }
.LBB2_1:
0xe: {  	[tilespmem:s2], [sflag:$0x1] =	stream.strided.gather [hbm4b:s3+s9], $0xC000, s10, s9, $0x38;
	[tilespmem:$0x18060] =	vst v63  }
0xf: {  	_ = 	snop  }
0x10: {  	[tilespmem:s11], [sflag:$0x2] =	stream.strided.gather [hbm4b:s4+s9], $0xC000, s10, s9, $0x38;
	[tilespmem:$0x18060] =	vst v63  }
0x11: {  	_ =	swait.ge [sflag:s12], $0xC000  }
0x12: {  	[sflag:s12] =	ssyncset.done $0x0  }
0x13: {  	s17 =	simm.s32 $0x0;
	[sflag:s12] =	ssyncadd.s32 $0xFFFF4000  }
0x14: {  	v11 =	vld [tilespmem:s17+$0x2A0]  }
0x15: {  	v15 =	vld [tilespmem:s17+$0x2B0]  }
0x16: {  	v17 =	vld [tilespmem:s17+$0x2C0]  }
0x17: {  	v3 =	vld [tilespmem:s17+$0x2D0]  }
0x18: {  	v1 =	vld [tilespmem:s17+$0x2E0]  }
0x19: {  	v24 =	vld [tilespmem:s17+$0x240]  }
0x1a: {  	v26 =	vld [tilespmem:s17+$0x250]  }
0x1b: {  	v27 =	vld [tilespmem:s17+$0x260]  }
0x1c: {  	v5 =	vld [tilespmem:s17+$0x270]  }
0x1d: {  	v7 =	vld [tilespmem:s17+$0x280]  }
0x1e: {  	v38 =	vld [tilespmem:s17+$0x1E0]  }
0x1f: {  	v39 =	vld [tilespmem:s17+$0x1F0]  }
0x20: {  	v40 =	vld [tilespmem:s17+$0x200]  }
0x21: {  	v12 =	vld [tilespmem:s17+$0x210]  }
0x22: {  	v13 =	vld [tilespmem:s17+$0x220]  }
0x23: {  	v43 =	vld [tilespmem:s17+$0x180]  }
0x24: {  	v45 =	vld [tilespmem:s17+$0x190]  }
0x25: {  	v46 =	vld [tilespmem:s17+$0x1A0]  }
0x26: {  	v20 =	vld [tilespmem:s17+$0x1B0]  }
0x27: {  	v21 =	vld [tilespmem:s17+$0x1C0]  }
0x28: {  	v30 =	vld [tilespmem:s17+$0x120]  }
0x29: {  	v53 =	vld [tilespmem:s17+$0x130]  }
0x2a: {  	v54 =	vld [tilespmem:s17+$0x140]  }
0x2b: {  	v31 =	vld [tilespmem:s17+$0x150]  }
0x2c: {  	v34 =	vld [tilespmem:s17+$0x160]  }
0x2d: {  	v0 =	vld [tilespmem:s17+$0xC0]  }
0x2e: {  	v2 =	vld [tilespmem:s17+$0xD0]  }
0x2f: {  	v4 =	vld [tilespmem:s17+$0xE0]  }
0x30: {  	v6 =	vld [tilespmem:s17+$0x60]  }
0x31: {  	v8 =	vld [tilespmem:s17+$0x70]  }
0x32: {  	v9 =	vld [tilespmem:s17+$0x0]  }
0x33: {  	v10 =	vld [tilespmem:s17+$0x10]  }
0x34: {  	v14 =	vld [tilespmem:s17+$0x20]  }
0x35: {  	v16 =	vld [tilespmem:s17+$0x80]  }
0x36: {  	v49 =	vld [tilespmem:s17+$0xF0]  }
0x37: {  	v51 =	vld [tilespmem:s17+$0x100]  }
0x38: {  	v29 =	vimm.f32 $-3.000000010e+38;
	v36 =	vimm.f32 $-3.000000010e+38;
	v37 =	vimm.f32 $-3.000000010e+38;
	v52 =	vld [tilespmem:s17+$0x90]  }
0x39: {  	v55 =	vld [tilespmem:s17+$0xA0];
	v9 =	vmax.f32 v29, v9;
	v10 =	vmax.f32 v29, v10;
	v14 =	vmax.f32 v29, v14  }
0x3a: {  	v56 =	vld [tilespmem:s17+$0x30];
	v6 =	vmax.f32 v9, v6;
	v8 =	vmax.f32 v10, v8;
	v9 =	vmax.f32 v14, v16  }
0x3b: {  	s18 =	simm.s32 $0xC00;
	v57 =	vld [tilespmem:s17+$0x40];
	v58 =	vmax.f32 v6, v0;
	v59 =	vmax.f32 v8, v2;
	v60 =	vmax.f32 v9, v4  }
.LBB2_2:
0x3c: {  	p0 =	sne.s32 s18, $0x2F400;
	v0 =	vld [tilespmem:s17+$0x50];
	v2 =	vmax.f32 v58, v30;
	v4 =	vmax.f32 v59, v53;
	v6 =	vmax.f32 v60, v54  }
0x3d: {  	v8 =	vld [tilespmem:s17+$0xB0];
	v2 =	vmax.f32 v2, v43;
	v4 =	vmax.f32 v4, v45;
	v6 =	vmax.f32 v6, v46  }
0x3e: {  	v9 =	vld [tilespmem:s17+$0x110];
	v2 =	vmax.f32 v2, v38;
	v4 =	vmax.f32 v4, v39;
	v6 =	vmax.f32 v6, v40  }
0x3f: {  	v10 =	vld [tilespmem:s17+$0x170];
	v2 =	vmax.f32 v2, v24;
	v4 =	vmax.f32 v4, v26;
	v6 =	vmax.f32 v6, v27  }
0x40: {  	v14 =	vld [tilespmem:s17+$0x1D0];
	v2 =	vmax.f32 v2, v11;
	v4 =	vmax.f32 v4, v15;
	v6 =	vmax.f32 v6, v17  }
0x41: {  	v11 =	vmax.f32 v29, v56;
	v15 =	vmax.f32 v36, v57;
	v0 =	vmax.f32 v37, v0;
	v16 =	vld [tilespmem:s17+$0x230]  }
0x42: {  	v11 =	vmax.f32 v11, v52;
	v15 =	vmax.f32 v15, v55;
	v0 =	vmax.f32 v0, v8;
	v8 =	vld [tilespmem:s17+$0x290]  }
0x43: {  	v17 =	vmax.f32 v11, v49;
	v15 =	vmax.f32 v15, v51;
	v0 =	vmax.f32 v0, v9;
	v9 =	vld [tilespmem:s17+$0x2F0];
	s17 =	sshra.s32 s18, $0x2  }
0x44: {  	v17 =	vmax.f32 v17, v31;
	v18 =	vmax.f32 v15, v34;
	v11 =	vld [tilespmem:s17+$0x2A0];
	v0 =	vmax.f32 v0, v10  }
0x45: {  	v10 =	vmax.f32 v17, v20;
	v18 =	vmax.f32 v18, v21;
	v15 =	vld [tilespmem:s17+$0x2B0];
	v0 =	vmax.f32 v0, v14  }
0x46: {  	v10 =	vmax.f32 v10, v12;
	v12 =	vmax.f32 v18, v13;
	v17 =	vld [tilespmem:s17+$0x2C0];
	v0 =	vmax.f32 v0, v16  }
0x47: {  	v5 =	vmax.f32 v10, v5;
	v7 =	vmax.f32 v12, v7;
	v13 =	vld [tilespmem:s17+$0x2D0];
	v0 =	vmax.f32 v0, v8  }
0x48: {  	v29 =	vmax.f32 v5, v3;
	v36 =	vmax.f32 v7, v1;
	v1 =	vld [tilespmem:s17+$0x2E0];
	v37 =	vmax.f32 v0, v9  }
0x49: {  	v24 =	vld [tilespmem:s17+$0x240]  }
0x4a: {  	v26 =	vld [tilespmem:s17+$0x250]  }
0x4b: {  	v27 =	vld [tilespmem:s17+$0x260]  }
0x4c: {  	v5 =	vld [tilespmem:s17+$0x270];
	v3 =	vmov v13  }
0x4d: {  	v7 =	vld [tilespmem:s17+$0x280]  }
0x4e: {  	v38 =	vld [tilespmem:s17+$0x1E0]  }
0x4f: {  	v39 =	vld [tilespmem:s17+$0x1F0]  }
0x50: {  	v40 =	vld [tilespmem:s17+$0x200]  }
0x51: {  	v12 =	vld [tilespmem:s17+$0x210]  }
0x52: {  	v13 =	vld [tilespmem:s17+$0x220]  }
0x53: {  	v43 =	vld [tilespmem:s17+$0x180]  }
0x54: {  	v45 =	vld [tilespmem:s17+$0x190]  }
0x55: {  	v46 =	vld [tilespmem:s17+$0x1A0]  }
0x56: {  	v20 =	vld [tilespmem:s17+$0x1B0]  }
0x57: {  	v21 =	vld [tilespmem:s17+$0x1C0]  }
0x58: {  	v30 =	vld [tilespmem:s17+$0x120]  }
0x59: {  	v53 =	vld [tilespmem:s17+$0x130]  }
0x5a: {  	v54 =	vld [tilespmem:s17+$0x140]  }
0x5b: {  	v31 =	vld [tilespmem:s17+$0x150]  }
0x5c: {  	v34 =	vld [tilespmem:s17+$0x160]  }
0x5d: {  	v0 =	vld [tilespmem:s17+$0xC0]  }
0x5e: {  	v8 =	vld [tilespmem:s17+$0xD0]  }
0x5f: {  	v9 =	vld [tilespmem:s17+$0xE0]  }
0x60: {  	v10 =	vld [tilespmem:s17+$0x60]  }
0x61: {  	v14 =	vld [tilespmem:s17+$0x70]  }
0x62: {  	v16 =	vld [tilespmem:s17+$0x0]  }
0x63: {  	v18 =	vld [tilespmem:s17+$0x10]  }
0x64: {  	v19 =	vld [tilespmem:s17+$0x20]  }
0x65: {  	v22 =	vld [tilespmem:s17+$0x80]  }
0x66: {  	v49 =	vld [tilespmem:s17+$0xF0]  }
.Ltmp0:
0x67: {  	v51 =	vld [tilespmem:s17+$0x100];
	(pc) =	sbr.rel @p0 .LBB2_2-.Ltmp0, $4  }
0x68: {  	v52 =	vld [tilespmem:s17+$0x90]  }
0x69: {  	v2 =	vmax.f32 v2, v16;
	v4 =	vmax.f32 v4, v18;
	v6 =	vmax.f32 v6, v19;
	v55 =	vld [tilespmem:s17+$0xA0]  }
0x6a: {  	v2 =	vmax.f32 v2, v10;
	v4 =	vmax.f32 v4, v14;
	v56 =	vld [tilespmem:s17+$0x30];
	v6 =	vmax.f32 v6, v22  }
0x6b: {  	s18 =	sadd.s32 $0xC00, s18;
	v58 =	vmax.f32 v2, v0;
	v59 =	vmax.f32 v4, v8;
	v57 =	vld [tilespmem:s17+$0x40];
	v60 =	vmax.f32 v6, v9  }
0x6c: {  	v0 =	vld [tilespmem:s17+$0x170];
	_ =	sdelay $0x4  }
0x6d: {  	[tilespmem:$0x1FFB0] =	vst v0;
	v0 =	vld [tilespmem:s17+$0x1D0];
	_ =	sdelay $0x4  }
0x6e: {  	[tilespmem:$0x1FFC0] =	vst v0;
	v0 =	vld [tilespmem:s17+$0x230];
	_ =	sdelay $0x4  }
0x6f: {  	[tilespmem:$0x1FFD0] =	vst v0;
	v0 =	vld [tilespmem:s17+$0x290];
	_ =	sdelay $0x3  }
0x70: {  	v53 =	vmax.f32 v59, v53  }
0x71: {  	v54 =	vmax.f32 v60, v54;
	v45 =	vmax.f32 v53, v45;
	[tilespmem:$0x1FFE0] =	vst v0;
	v0 =	vld [tilespmem:s17+$0x2F0]  }
0x72: {  	v46 =	vmax.f32 v54, v46;
	v39 =	vmax.f32 v45, v39  }
0x73: {  	v61 =	vld [tilespmem:s17+$0x50];
	v40 =	vmax.f32 v46, v40;
	v26 =	vmax.f32 v39, v26  }
0x74: {  	v62 =	vld [tilespmem:s17+$0xB0];
	s31 =	simm.s32 $0x0;
	v27 =	vmax.f32 v40, v27;
	v15 =	vmax.f32 v26, v15  }
0x75: {  	v63 =	vld [tilespmem:s17+$0x110];
	v17 =	vmax.f32 v27, v17;
	v26 =	vmax.f32 v29, v56;
	v27 =	vmax.f32 v36, v57;
	[tilespmem:s31], [sflag:$0x1] =	stream.strided.gather [hbm4b:s5+s9], $0xC000, s10, s9, $0x38  }
0x76: {  	v26 =	vmax.f32 v26, v52;
	v27 =	vmax.f32 v27, v55;
	[tilespmem:$0x1FFF0] =	vst v0  }
0x77: {  	v26 =	vmax.f32 v26, v49;
	v27 =	vmax.f32 v27, v51;
	_ =	swait.ge [sflag:s13], $0xC000  }
0x78: {  	v26 =	vmax.f32 v26, v31;
	v27 =	vmax.f32 v27, v34;
	v31 =	vld [tilespmem:$0x1FFB0]  }
0x79: {  	v20 =	vmax.f32 v26, v20;
	v21 =	vmax.f32 v27, v21;
	v26 =	vld [tilespmem:$0x1FFC0]  }
0x7a: {  	v12 =	vmax.f32 v20, v12;
	v13 =	vmax.f32 v21, v13;
	v20 =	vld [tilespmem:$0x1FFD0]  }
0x7b: {  	v5 =	vmax.f32 v12, v5;
	v7 =	vmax.f32 v13, v7;
	[sflag:s13] =	ssyncset.done $0x0;
	v12 =	vld [tilespmem:$0x1FFE0]  }
0x7c: {  	v39 =	vmax.f32 v7, v1;
	s17 =	simm.s32 $0x0;
	v1 =	vld [tilespmem:$0x1FFF0];
	[sflag:s13] =	ssyncadd.s32 $0xFFFF4000  }
0x7d: {  	v8 =	vld [tilespmem:s17+$0xC2A0]  }
0x7e: {  	v14 =	vld [tilespmem:s17+$0xC2B0]  }
0x7f: {  	v16 =	vld [tilespmem:s17+$0xC2C0]  }
0x80: {  	v2 =	vld [tilespmem:s17+$0xC2D0]  }
0x81: {  	v0 =	vld [tilespmem:s17+$0xC2E0]  }
0x82: {  	v22 =	vld [tilespmem:s17+$0xC240]  }
0x83: {  	v23 =	vld [tilespmem:s17+$0xC250]  }
0x84: {  	v25 =	vld [tilespmem:s17+$0xC260]  }
0x85: {  	v4 =	vld [tilespmem:s17+$0xC270]  }
0x86: {  	v6 =	vld [tilespmem:s17+$0xC280]  }
0x87: {  	v32 =	vld [tilespmem:s17+$0xC1E0]  }
0x88: {  	v33 =	vld [tilespmem:s17+$0xC1F0]  }
0x89: {  	v35 =	vld [tilespmem:s17+$0xC200]  }
0x8a: {  	v9 =	vld [tilespmem:s17+$0xC210]  }
0x8b: {  	v10 =	vld [tilespmem:s17+$0xC220]  }
0x8c: {  	v41 =	vld [tilespmem:s17+$0xC180]  }
0x8d: {  	v42 =	vld [tilespmem:s17+$0xC190]  }
0x8e: {  	v44 =	vld [tilespmem:s17+$0xC1A0]  }
0x8f: {  	v18 =	vld [tilespmem:s17+$0xC1B0]  }
0x90: {  	v19 =	vld [tilespmem:s17+$0xC1C0]  }
0x91: {  	v47 =	vld [tilespmem:s17+$0xC120]  }
0x92: {  	v48 =	vld [tilespmem:s17+$0xC130]  }
0x93: {  	v50 =	vld [tilespmem:s17+$0xC140]  }
0x94: {  	v28 =	vld [tilespmem:s17+$0xC150]  }
0x95: {  	v58 =	vmax.f32 v58, v30;
	v30 =	vld [tilespmem:s17+$0xC160]  }
0x96: {  	v43 =	vmax.f32 v58, v43;
	v59 =	vld [tilespmem:s17+$0xC0C0]  }
0x97: {  	v38 =	vmax.f32 v43, v38;
	v43 =	vld [tilespmem:s17+$0xC0D0]  }
0x98: {  	v24 =	vmax.f32 v38, v24;
	v60 =	vld [tilespmem:s17+$0xC0E0]  }
0x99: {  	v11 =	vmax.f32 v24, v11;
	v24 =	vld [tilespmem:s17+$0xC060]  }
0x9a: {  	v29 =	vmax.f32 v37, v61;
	v61 =	vld [tilespmem:s17+$0xC070]  }
0x9b: {  	v29 =	vmax.f32 v29, v62;
	v62 =	vld [tilespmem:s17+$0xC000]  }
0x9c: {  	v29 =	vmax.f32 v29, v63;
	v63 =	vld [tilespmem:s17+$0xC010]  }
0x9d: {  	v29 =	vmax.f32 v29, v31;
	v31 =	vld [tilespmem:s17+$0xC020]  }
0x9e: {  	v27 =	vld [tilespmem:s17+$0xC080]  }
0x9f: {  	v53 =	vld [tilespmem:s17+$0xC0F0];
	v26 =	vmax.f32 v29, v26  }
0xa0: {  	v54 =	vld [tilespmem:s17+$0xC100];
	v20 =	vmax.f32 v26, v20  }
0xa1: {  	v38 =	vmax.f32 v5, v3;
	v55 =	vld [tilespmem:s17+$0xC090];
	v3 =	vmax.f32 v15, v63;
	v12 =	vmax.f32 v20, v12  }
0xa2: {  	v56 =	vld [tilespmem:s17+$0xC0A0];
	v40 =	vmax.f32 v12, v1;
	v1 =	vmax.f32 v11, v62;
	v5 =	vmax.f32 v17, v31  }
0xa3: {  	v57 =	vld [tilespmem:s17+$0xC030];
	v3 =	vmax.f32 v3, v61;
	v1 =	vmax.f32 v1, v24;
	v5 =	vmax.f32 v5, v27  }
0xa4: {  	s18 =	simm.s32 $0xC00;
	v58 =	vld [tilespmem:s17+$0xC040];
	v31 =	vmax.f32 v1, v59;
	v59 =	vmax.f32 v3, v43;
	v60 =	vmax.f32 v5, v60  }
.LBB2_4:
0xa5: {  	p0 =	sne.s32 s18, $0x2F400;
	v1 =	vld [tilespmem:s17+$0xC050];
	v3 =	vmax.f32 v31, v47;
	v5 =	vmax.f32 v59, v48;
	v7 =	vmax.f32 v60, v50  }
0xa6: {  	v11 =	vld [tilespmem:s17+$0xC0B0];
	v3 =	vmax.f32 v3, v41;
	v5 =	vmax.f32 v5, v42;
	v7 =	vmax.f32 v7, v44  }
0xa7: {  	v12 =	vld [tilespmem:s17+$0xC110];
	v3 =	vmax.f32 v3, v32;
	v5 =	vmax.f32 v5, v33;
	v7 =	vmax.f32 v7, v35  }
0xa8: {  	v13 =	vld [tilespmem:s17+$0xC170];
	v3 =	vmax.f32 v3, v22;
	v5 =	vmax.f32 v5, v23;
	v7 =	vmax.f32 v7, v25  }
0xa9: {  	v15 =	vld [tilespmem:s17+$0xC1D0];
	v3 =	vmax.f32 v3, v8;
	v5 =	vmax.f32 v5, v14;
	v7 =	vmax.f32 v7, v16  }
0xaa: {  	v8 =	vmax.f32 v38, v57;
	v14 =	vmax.f32 v39, v58;
	v1 =	vmax.f32 v40, v1;
	v17 =	vld [tilespmem:s17+$0xC230]  }
0xab: {  	v8 =	vmax.f32 v8, v55;
	v14 =	vmax.f32 v14, v56;
	v1 =	vmax.f32 v1, v11;
	v11 =	vld [tilespmem:s17+$0xC290]  }
0xac: {  	v16 =	vmax.f32 v8, v53;
	v14 =	vmax.f32 v14, v54;
	v1 =	vmax.f32 v1, v12;
	v12 =	vld [tilespmem:s17+$0xC2F0];
	s17 =	sshra.s32 s18, $0x2  }
0xad: {  	v16 =	vmax.f32 v16, v28;
	v20 =	vmax.f32 v14, v30;
	v8 =	vld [tilespmem:s17+$0xC2A0];
	v1 =	vmax.f32 v1, v13  }
0xae: {  	v13 =	vmax.f32 v16, v18;
	v18 =	vmax.f32 v20, v19;
	v14 =	vld [tilespmem:s17+$0xC2B0];
	v1 =	vmax.f32 v1, v15  }
0xaf: {  	v9 =	vmax.f32 v13, v9;
	v10 =	vmax.f32 v18, v10;
	v16 =	vld [tilespmem:s17+$0xC2C0];
	v1 =	vmax.f32 v1, v17  }
0xb0: {  	v4 =	vmax.f32 v9, v4;
	v6 =	vmax.f32 v10, v6;
	v13 =	vld [tilespmem:s17+$0xC2D0];
	v1 =	vmax.f32 v1, v11  }
0xb1: {  	v38 =	vmax.f32 v4, v2;
	v39 =	vmax.f32 v6, v0;
	v0 =	vld [tilespmem:s17+$0xC2E0];
	v40 =	vmax.f32 v1, v12  }
0xb2: {  	v22 =	vld [tilespmem:s17+$0xC240]  }
0xb3: {  	v23 =	vld [tilespmem:s17+$0xC250]  }
0xb4: {  	v25 =	vld [tilespmem:s17+$0xC260]  }
0xb5: {  	v4 =	vld [tilespmem:s17+$0xC270];
	v2 =	vmov v13  }
0xb6: {  	v6 =	vld [tilespmem:s17+$0xC280]  }
0xb7: {  	v32 =	vld [tilespmem:s17+$0xC1E0]  }
0xb8: {  	v33 =	vld [tilespmem:s17+$0xC1F0]  }
0xb9: {  	v35 =	vld [tilespmem:s17+$0xC200]  }
0xba: {  	v9 =	vld [tilespmem:s17+$0xC210]  }
0xbb: {  	v10 =	vld [tilespmem:s17+$0xC220]  }
0xbc: {  	v41 =	vld [tilespmem:s17+$0xC180]  }
0xbd: {  	v42 =	vld [tilespmem:s17+$0xC190]  }
0xbe: {  	v44 =	vld [tilespmem:s17+$0xC1A0]  }
0xbf: {  	v18 =	vld [tilespmem:s17+$0xC1B0]  }
0xc0: {  	v19 =	vld [tilespmem:s17+$0xC1C0]  }
0xc1: {  	v47 =	vld [tilespmem:s17+$0xC120]  }
0xc2: {  	v48 =	vld [tilespmem:s17+$0xC130]  }
0xc3: {  	v50 =	vld [tilespmem:s17+$0xC140]  }
0xc4: {  	v28 =	vld [tilespmem:s17+$0xC150]  }
0xc5: {  	v30 =	vld [tilespmem:s17+$0xC160]  }
0xc6: {  	v1 =	vld [tilespmem:s17+$0xC0C0]  }
0xc7: {  	v11 =	vld [tilespmem:s17+$0xC0D0]  }
0xc8: {  	v12 =	vld [tilespmem:s17+$0xC0E0]  }
0xc9: {  	v13 =	vld [tilespmem:s17+$0xC060]  }
0xca: {  	v15 =	vld [tilespmem:s17+$0xC070]  }
0xcb: {  	v17 =	vld [tilespmem:s17+$0xC000]  }
0xcc: {  	v20 =	vld [tilespmem:s17+$0xC010]  }
0xcd: {  	v21 =	vld [tilespmem:s17+$0xC020]  }
0xce: {  	v24 =	vld [tilespmem:s17+$0xC080]  }
0xcf: {  	v53 =	vld [tilespmem:s17+$0xC0F0]  }
.Ltmp1:
0xd0: {  	v54 =	vld [tilespmem:s17+$0xC100];
	(pc) =	sbr.rel @p0 .LBB2_4-.Ltmp1, $4  }
0xd1: {  	v55 =	vld [tilespmem:s17+$0xC090]  }
0xd2: {  	v3 =	vmax.f32 v3, v17;
	v5 =	vmax.f32 v5, v20;
	v7 =	vmax.f32 v7, v21;
	v56 =	vld [tilespmem:s17+$0xC0A0]  }
0xd3: {  	v3 =	vmax.f32 v3, v13;
	v5 =	vmax.f32 v5, v15;
	v57 =	vld [tilespmem:s17+$0xC030];
	v7 =	vmax.f32 v7, v24  }
0xd4: {  	s18 =	sadd.s32 $0xC00, s18;
	v31 =	vmax.f32 v3, v1;
	v59 =	vmax.f32 v5, v11;
	v58 =	vld [tilespmem:s17+$0xC040];
	v60 =	vmax.f32 v7, v12  }
0xd5: {  	v1 =	vld [tilespmem:s17+$0xC170];
	_ =	sdelay $0x4  }
0xd6: {  	[tilespmem:$0x1FF60] =	vst v1;
	v1 =	vld [tilespmem:s17+$0xC1D0];
	_ =	sdelay $0x4  }
0xd7: {  	[tilespmem:$0x1FF70] =	vst v1;
	v1 =	vld [tilespmem:s17+$0xC230];
	_ =	sdelay $0x4  }
0xd8: {  	[tilespmem:$0x1FF80] =	vst v1;
	v1 =	vld [tilespmem:s17+$0xC290];
	_ =	sdelay $0x3  }
0xd9: {  	v48 =	vmax.f32 v59, v48  }
0xda: {  	v50 =	vmax.f32 v60, v50;
	v42 =	vmax.f32 v48, v42;
	[tilespmem:$0x1FF90] =	vst v1;
	v1 =	vld [tilespmem:s17+$0xC2F0]  }
0xdb: {  	v44 =	vmax.f32 v50, v44;
	v33 =	vmax.f32 v42, v33  }
0xdc: {  	v61 =	vld [tilespmem:s17+$0xC050];
	v35 =	vmax.f32 v44, v35;
	v23 =	vmax.f32 v33, v23  }
0xdd: {  	v62 =	vld [tilespmem:s17+$0xC0B0];
	v25 =	vmax.f32 v35, v25;
	v14 =	vmax.f32 v23, v14  }
0xde: {  	v63 =	vld [tilespmem:s17+$0xC110];
	v16 =	vmax.f32 v25, v16;
	v23 =	vmax.f32 v38, v57;
	v25 =	vmax.f32 v39, v58;
	[tilespmem:s11], [sflag:$0x2] =	stream.strided.gather [hbm4b:s6+s9], $0xC000, s10, s9, $0x38  }
0xdf: {  	v23 =	vmax.f32 v23, v55;
	v25 =	vmax.f32 v25, v56;
	[tilespmem:$0x1FFA0] =	vst v1  }
0xe0: {  	v23 =	vmax.f32 v23, v53;
	v25 =	vmax.f32 v25, v54;
	_ =	swait.ge [sflag:s12], $0xC000  }
0xe1: {  	v23 =	vmax.f32 v23, v28;
	v25 =	vmax.f32 v25, v30;
	v28 =	vld [tilespmem:$0x1FF60]  }
0xe2: {  	v18 =	vmax.f32 v23, v18;
	v19 =	vmax.f32 v25, v19;
	v23 =	vld [tilespmem:$0x1FF70]  }
0xe3: {  	v9 =	vmax.f32 v18, v9;
	v10 =	vmax.f32 v19, v10;
	v18 =	vld [tilespmem:$0x1FF80]  }
0xe4: {  	v4 =	vmax.f32 v9, v4;
	v6 =	vmax.f32 v10, v6;
	[sflag:s12] =	ssyncset.done $0x0;
	v9 =	vld [tilespmem:$0x1FF90]  }
0xe5: {  	v30 =	vmax.f32 v6, v0;
	s17 =	simm.s32 $0x0;
	v0 =	vld [tilespmem:$0x1FFA0];
	[sflag:s12] =	ssyncadd.s32 $0xFFFF4000  }
0xe6: {  	v11 =	vld [tilespmem:s17+$0x2A0]  }
0xe7: {  	v15 =	vld [tilespmem:s17+$0x2B0]  }
0xe8: {  	v17 =	vld [tilespmem:s17+$0x2C0]  }
0xe9: {  	v3 =	vld [tilespmem:s17+$0x2D0]  }
0xea: {  	v1 =	vld [tilespmem:s17+$0x2E0]  }
0xeb: {  	v24 =	vld [tilespmem:s17+$0x240]  }
0xec: {  	v26 =	vld [tilespmem:s17+$0x250]  }
0xed: {  	v27 =	vld [tilespmem:s17+$0x260]  }
0xee: {  	v5 =	vld [tilespmem:s17+$0x270]  }
0xef: {  	v7 =	vld [tilespmem:s17+$0x280]  }
0xf0: {  	v34 =	vld [tilespmem:s17+$0x1E0]  }
0xf1: {  	v36 =	vld [tilespmem:s17+$0x1F0]  }
0xf2: {  	v37 =	vld [tilespmem:s17+$0x200]  }
0xf3: {  	v12 =	vld [tilespmem:s17+$0x210]  }
0xf4: {  	v13 =	vld [tilespmem:s17+$0x220]  }
0xf5: {  	v43 =	vld [tilespmem:s17+$0x180]  }
0xf6: {  	v45 =	vld [tilespmem:s17+$0x190]  }
0xf7: {  	v46 =	vld [tilespmem:s17+$0x1A0]  }
0xf8: {  	v20 =	vld [tilespmem:s17+$0x1B0]  }
0xf9: {  	v21 =	vld [tilespmem:s17+$0x1C0]  }
0xfa: {  	v49 =	vld [tilespmem:s17+$0x120]  }
0xfb: {  	v51 =	vld [tilespmem:s17+$0x130]  }
0xfc: {  	v52 =	vld [tilespmem:s17+$0x140]  }
0xfd: {  	v29 =	vld [tilespmem:s17+$0x150]  }
0xfe: {  	v47 =	vmax.f32 v31, v47;
	v31 =	vld [tilespmem:s17+$0x160]  }
0xff: {  	v41 =	vmax.f32 v47, v41;
	v47 =	vld [tilespmem:s17+$0xC0]  }
0x100: {  	v32 =	vmax.f32 v41, v32;
	v41 =	vld [tilespmem:s17+$0xD0]  }
0x101: {  	v22 =	vmax.f32 v32, v22;
	v33 =	vld [tilespmem:s17+$0xE0]  }
0x102: {  	v8 =	vmax.f32 v22, v8;
	v22 =	vld [tilespmem:s17+$0x60]  }
0x103: {  	v60 =	vld [tilespmem:s17+$0x70]  }
0x104: {  	v59 =	vmax.f32 v40, v61;
	v61 =	vld [tilespmem:s17+$0x0]  }
0x105: {  	v32 =	vmax.f32 v59, v62;
	v62 =	vld [tilespmem:s17+$0x10]  }
0x106: {  	v32 =	vmax.f32 v32, v63;
	v63 =	vld [tilespmem:s17+$0x20]  }
0x107: {  	v25 =	vld [tilespmem:s17+$0x80];
	v28 =	vmax.f32 v32, v28  }
0x108: {  	v42 =	vld [tilespmem:s17+$0xF0];
	v23 =	vmax.f32 v28, v23  }
0x109: {  	v48 =	vld [tilespmem:s17+$0x100];
	v18 =	vmax.f32 v23, v18  }
0x10a: {  	v50 =	vld [tilespmem:s17+$0x90];
	v28 =	vmax.f32 v4, v2;
	v2 =	vmax.f32 v14, v62;
	v9 =	vmax.f32 v18, v9  }
0x10b: {  	v56 =	vld [tilespmem:s17+$0xA0];
	v4 =	vmax.f32 v16, v63;
	v32 =	vmax.f32 v9, v0;
	v0 =	vmax.f32 v8, v61  }
0x10c: {  	v57 =	vld [tilespmem:s17+$0x30];
	v2 =	vmax.f32 v2, v60;
	v4 =	vmax.f32 v4, v25;
	v0 =	vmax.f32 v0, v22  }
0x10d: {  	s18 =	simm.s32 $0xC00;
	v58 =	vld [tilespmem:s17+$0x40];
	v59 =	vmax.f32 v2, v41;
	v60 =	vmax.f32 v4, v33;
	v35 =	vmax.f32 v0, v47  }
.LBB2_6:
0x10e: {  	p0 =	sne.s32 s18, $0x2F400;
	v0 =	vld [tilespmem:s17+$0x50];
	v2 =	vmax.f32 v35, v49;
	v4 =	vmax.f32 v59, v51;
	v6 =	vmax.f32 v60, v52  }
0x10f: {  	v8 =	vld [tilespmem:s17+$0xB0];
	v2 =	vmax.f32 v2, v43;
	v4 =	vmax.f32 v4, v45;
	v6 =	vmax.f32 v6, v46  }
0x110: {  	v9 =	vld [tilespmem:s17+$0x110];
	v2 =	vmax.f32 v2, v34;
	v4 =	vmax.f32 v4, v36;
	v6 =	vmax.f32 v6, v37  }
0x111: {  	v10 =	vld [tilespmem:s17+$0x170];
	v2 =	vmax.f32 v2, v24;
	v4 =	vmax.f32 v4, v26;
	v6 =	vmax.f32 v6, v27  }
0x112: {  	v14 =	vld [tilespmem:s17+$0x1D0];
	v2 =	vmax.f32 v2, v11;
	v4 =	vmax.f32 v4, v15;
	v6 =	vmax.f32 v6, v17  }
0x113: {  	v11 =	vmax.f32 v28, v57;
	v15 =	vmax.f32 v30, v58;
	v0 =	vmax.f32 v32, v0;
	v16 =	vld [tilespmem:s17+$0x230]  }
0x114: {  	v11 =	vmax.f32 v11, v50;
	v15 =	vmax.f32 v15, v56;
	v0 =	vmax.f32 v0, v8;
	v8 =	vld [tilespmem:s17+$0x290]  }
0x115: {  	v17 =	vmax.f32 v11, v42;
	v15 =	vmax.f32 v15, v48;
	v0 =	vmax.f32 v0, v9;
	v9 =	vld [tilespmem:s17+$0x2F0];
	s17 =	sshra.s32 s18, $0x2  }
0x116: {  	v17 =	vmax.f32 v17, v29;
	v18 =	vmax.f32 v15, v31;
	v11 =	vld [tilespmem:s17+$0x2A0];
	v0 =	vmax.f32 v0, v10  }
0x117: {  	v10 =	vmax.f32 v17, v20;
	v18 =	vmax.f32 v18, v21;
	v15 =	vld [tilespmem:s17+$0x2B0];
	v0 =	vmax.f32 v0, v14  }
0x118: {  	v10 =	vmax.f32 v10, v12;
	v12 =	vmax.f32 v18, v13;
	v17 =	vld [tilespmem:s17+$0x2C0];
	v0 =	vmax.f32 v0, v16  }
0x119: {  	v5 =	vmax.f32 v10, v5;
	v7 =	vmax.f32 v12, v7;
	v13 =	vld [tilespmem:s17+$0x2D0];
	v0 =	vmax.f32 v0, v8  }
0x11a: {  	v28 =	vmax.f32 v5, v3;
	v30 =	vmax.f32 v7, v1;
	v1 =	vld [tilespmem:s17+$0x2E0];
	v32 =	vmax.f32 v0, v9  }
0x11b: {  	v24 =	vld [tilespmem:s17+$0x240]  }
0x11c: {  	v26 =	vld [tilespmem:s17+$0x250]  }
0x11d: {  	v27 =	vld [tilespmem:s17+$0x260]  }
0x11e: {  	v5 =	vld [tilespmem:s17+$0x270];
	v3 =	vmov v13  }
0x11f: {  	v7 =	vld [tilespmem:s17+$0x280]  }
0x120: {  	v34 =	vld [tilespmem:s17+$0x1E0]  }
0x121: {  	v36 =	vld [tilespmem:s17+$0x1F0]  }
0x122: {  	v37 =	vld [tilespmem:s17+$0x200]  }
0x123: {  	v12 =	vld [tilespmem:s17+$0x210]  }
0x124: {  	v13 =	vld [tilespmem:s17+$0x220]  }
0x125: {  	v43 =	vld [tilespmem:s17+$0x180]  }
0x126: {  	v45 =	vld [tilespmem:s17+$0x190]  }
0x127: {  	v46 =	vld [tilespmem:s17+$0x1A0]  }
0x128: {  	v20 =	vld [tilespmem:s17+$0x1B0]  }
0x129: {  	v21 =	vld [tilespmem:s17+$0x1C0]  }
0x12a: {  	v49 =	vld [tilespmem:s17+$0x120]  }
0x12b: {  	v51 =	vld [tilespmem:s17+$0x130]  }
0x12c: {  	v52 =	vld [tilespmem:s17+$0x140]  }
0x12d: {  	v29 =	vld [tilespmem:s17+$0x150]  }
0x12e: {  	v31 =	vld [tilespmem:s17+$0x160]  }
0x12f: {  	v0 =	vld [tilespmem:s17+$0xC0]  }
0x130: {  	v8 =	vld [tilespmem:s17+$0xD0]  }
0x131: {  	v9 =	vld [tilespmem:s17+$0xE0]  }
0x132: {  	v10 =	vld [tilespmem:s17+$0x60]  }
0x133: {  	v14 =	vld [tilespmem:s17+$0x70]  }
0x134: {  	v16 =	vld [tilespmem:s17+$0x0]  }
0x135: {  	v18 =	vld [tilespmem:s17+$0x10]  }
0x136: {  	v19 =	vld [tilespmem:s17+$0x20]  }
0x137: {  	v22 =	vld [tilespmem:s17+$0x80]  }
0x138: {  	v42 =	vld [tilespmem:s17+$0xF0]  }
.Ltmp2:
0x139: {  	v48 =	vld [tilespmem:s17+$0x100];
	(pc) =	sbr.rel @p0 .LBB2_6-.Ltmp2, $4  }
0x13a: {  	v50 =	vld [tilespmem:s17+$0x90]  }
0x13b: {  	v2 =	vmax.f32 v2, v16;
	v4 =	vmax.f32 v4, v18;
	v6 =	vmax.f32 v6, v19;
	v56 =	vld [tilespmem:s17+$0xA0]  }
0x13c: {  	v2 =	vmax.f32 v2, v10;
	v4 =	vmax.f32 v4, v14;
	v57 =	vld [tilespmem:s17+$0x30];
	v6 =	vmax.f32 v6, v22  }
0x13d: {  	s18 =	sadd.s32 $0xC00, s18;
	v35 =	vmax.f32 v2, v0;
	v59 =	vmax.f32 v4, v8;
	v58 =	vld [tilespmem:s17+$0x40];
	v60 =	vmax.f32 v6, v9  }
0x13e: {  	v0 =	vld [tilespmem:s17+$0x170];
	_ =	sdelay $0x4  }
0x13f: {  	[tilespmem:$0x1FF10] =	vst v0;
	v0 =	vld [tilespmem:s17+$0x1D0];
	_ =	sdelay $0x4  }
0x140: {  	[tilespmem:$0x1FF20] =	vst v0;
	v0 =	vld [tilespmem:s17+$0x230];
	_ =	sdelay $0x4  }
0x141: {  	[tilespmem:$0x1FF30] =	vst v0;
	v0 =	vld [tilespmem:s17+$0x290];
	_ =	sdelay $0x3  }
0x142: {  	v49 =	vmax.f32 v35, v49  }
0x143: {  	v52 =	vmax.f32 v60, v52;
	v43 =	vmax.f32 v49, v43;
	[tilespmem:$0x1FF40] =	vst v0;
	v0 =	vld [tilespmem:s17+$0x2F0]  }
0x144: {  	v61 =	vld [tilespmem:s17+$0x50];
	v46 =	vmax.f32 v52, v46;
	v34 =	vmax.f32 v43, v34  }
0x145: {  	v62 =	vld [tilespmem:s17+$0xB0];
	v37 =	vmax.f32 v46, v37;
	v24 =	vmax.f32 v34, v24  }
0x146: {  	v27 =	vmax.f32 v37, v27;
	v24 =	vmax.f32 v24, v11  }
0x147: {  	v17 =	vmax.f32 v27, v17;
	v11 =	vmax.f32 v28, v57;
	v27 =	vmax.f32 v30, v58  }
0x148: {  	v11 =	vmax.f32 v11, v50;
	v27 =	vmax.f32 v27, v56;
	[tilespmem:$0x1FF50] =	vst v0  }
0x149: {  	v63 =	vld [tilespmem:s17+$0x110];
	v58 =	vmax.f32 v32, v61;
	v11 =	vmax.f32 v11, v42;
	v27 =	vmax.f32 v27, v48;
	_ =	swait.ge [sflag:s13], $0xC000  }
0x14a: {  	v28 =	vmax.f32 v58, v62;
	v11 =	vmax.f32 v11, v29;
	v27 =	vmax.f32 v27, v31;
	v62 =	vld [tilespmem:$0x1FF10]  }
0x14b: {  	v11 =	vmax.f32 v11, v20;
	v20 =	vmax.f32 v27, v21;
	v21 =	vld [tilespmem:$0x1FF20]  }
0x14c: {  	v12 =	vmax.f32 v11, v12;
	v13 =	vmax.f32 v20, v13;
	v11 =	vld [tilespmem:$0x1FF30]  }
0x14d: {  	v5 =	vmax.f32 v12, v5;
	v12 =	vmax.f32 v13, v7;
	[sflag:s13] =	ssyncset.done $0x0;
	v7 =	vld [tilespmem:$0x1FF40]  }
0x14e: {  	v5 =	vmax.f32 v5, v3;
	s17 =	simm.s32 $0x0;
	v3 =	vld [tilespmem:$0x1FF50];
	[sflag:s13] =	ssyncadd.s32 $0xFFFF4000  }
0x14f: {  	v8 =	vld [tilespmem:s17+$0xC2A0]  }
0x150: {  	v14 =	vld [tilespmem:s17+$0xC2B0]  }
0x151: {  	v16 =	vld [tilespmem:s17+$0xC2C0]  }
0x152: {  	v2 =	vld [tilespmem:s17+$0xC2D0]  }
0x153: {  	v0 =	vld [tilespmem:s17+$0xC2E0]  }
0x154: {  	v22 =	vld [tilespmem:s17+$0xC240]  }
0x155: {  	v23 =	vld [tilespmem:s17+$0xC250]  }
0x156: {  	v25 =	vld [tilespmem:s17+$0xC260]  }
0x157: {  	v4 =	vld [tilespmem:s17+$0xC270]  }
0x158: {  	v6 =	vld [tilespmem:s17+$0xC280]  }
0x159: {  	v38 =	vld [tilespmem:s17+$0xC1E0]  }
0x15a: {  	v39 =	vld [tilespmem:s17+$0xC1F0]  }
0x15b: {  	v40 =	vld [tilespmem:s17+$0xC200]  }
0x15c: {  	v10 =	vld [tilespmem:s17+$0xC210]  }
0x15d: {  	v9 =	vld [tilespmem:s17+$0xC220]  }
0x15e: {  	v41 =	vld [tilespmem:s17+$0xC180]  }
0x15f: {  	v44 =	vld [tilespmem:s17+$0xC190]  }
0x160: {  	v47 =	vld [tilespmem:s17+$0xC1A0]  }
0x161: {  	v18 =	vld [tilespmem:s17+$0xC1B0]  }
0x162: {  	v19 =	vld [tilespmem:s17+$0xC1C0]  }
0x163: {  	v53 =	vld [tilespmem:s17+$0xC120]  }
0x164: {  	v54 =	vld [tilespmem:s17+$0xC130]  }
0x165: {  	v55 =	vld [tilespmem:s17+$0xC140]  }
0x166: {  	v33 =	vld [tilespmem:s17+$0xC150]  }
0x167: {  	v51 =	vmax.f32 v59, v51;
	v35 =	vld [tilespmem:s17+$0xC160]  }
0x168: {  	v45 =	vmax.f32 v51, v45;
	v49 =	vld [tilespmem:s17+$0xC0C0]  }
0x169: {  	v36 =	vmax.f32 v45, v36;
	v51 =	vld [tilespmem:s17+$0xC0D0]  }
0x16a: {  	v26 =	vmax.f32 v36, v26;
	v52 =	vld [tilespmem:s17+$0xC0E0]  }
0x16b: {  	v15 =	vmax.f32 v26, v15;
	v26 =	vld [tilespmem:s17+$0xC060]  }
0x16c: {  	v59 =	vld [tilespmem:s17+$0xC070]  }
0x16d: {  	v61 =	vld [tilespmem:s17+$0xC010]  }
0x16e: {  	v28 =	vmax.f32 v28, v63;
	v63 =	vld [tilespmem:s17+$0xC020]  }
0x16f: {  	v60 =	vld [tilespmem:s17+$0xC000]  }
0x170: {  	v27 =	vld [tilespmem:s17+$0xC080];
	v28 =	vmax.f32 v28, v62  }
0x171: {  	v1 =	vmax.f32 v12, v1;
	v12 =	vld [tilespmem:s17+$0xC090];
	v21 =	vmax.f32 v28, v21  }
0x172: {  	v20 =	vmax.f32 v21, v11;
	v11 =	vld [tilespmem:s17+$0xC0F0]  }
0x173: {  	v21 =	vmax.f32 v15, v61;
	v17 =	vmax.f32 v17, v63;
	v15 =	vld [tilespmem:s17+$0xC030]  }
0x174: {  	v13 =	vmax.f32 v20, v7;
	v7 =	vld [tilespmem:s17+$0xC100];
	v20 =	vmax.f32 v24, v60;
	v21 =	vmax.f32 v21, v59  }
0x175: {  	v24 =	vmax.f32 v17, v27;
	v17 =	vld [tilespmem:s17+$0xC040];
	v3 =	vmax.f32 v13, v3;
	v20 =	vmax.f32 v20, v26  }
0x176: {  	s18 =	simm.s32 $0xC00;
	v13 =	vld [tilespmem:s17+$0xC0A0];
	v21 =	vmax.f32 v21, v51;
	v24 =	vmax.f32 v24, v52;
	v20 =	vmax.f32 v20, v49  }
.LBB2_8:
0x177: {  	p0 =	sne.s32 s18, $0x2F400;
	v26 =	vld [tilespmem:s17+$0xC050];
	v20 =	vmax.f32 v20, v53;
	v21 =	vmax.f32 v21, v54;
	v24 =	vmax.f32 v24, v55  }
0x178: {  	v27 =	vld [tilespmem:s17+$0xC0B0];
	v20 =	vmax.f32 v20, v41;
	v21 =	vmax.f32 v21, v44;
	v24 =	vmax.f32 v24, v47  }
0x179: {  	v28 =	vld [tilespmem:s17+$0xC110];
	v20 =	vmax.f32 v20, v38;
	v21 =	vmax.f32 v21, v39;
	v24 =	vmax.f32 v24, v40  }
0x17a: {  	v29 =	vld [tilespmem:s17+$0xC170];
	v20 =	vmax.f32 v20, v22;
	v21 =	vmax.f32 v21, v23;
	v22 =	vmax.f32 v24, v25  }
0x17b: {  	v23 =	vld [tilespmem:s17+$0xC1D0];
	v20 =	vmax.f32 v20, v8;
	v21 =	vmax.f32 v21, v14;
	v24 =	vmax.f32 v22, v16  }
0x17c: {  	v5 =	vmax.f32 v5, v15;
	v1 =	vmax.f32 v1, v17;
	v3 =	vmax.f32 v3, v26;
	v15 =	vld [tilespmem:s17+$0xC230]  }
0x17d: {  	v5 =	vmax.f32 v5, v12;
	v1 =	vmax.f32 v1, v13;
	v3 =	vmax.f32 v3, v27;
	v12 =	vld [tilespmem:s17+$0xC290]  }
0x17e: {  	v5 =	vmax.f32 v5, v11;
	v1 =	vmax.f32 v1, v7;
	v3 =	vmax.f32 v3, v28;
	v7 =	vld [tilespmem:s17+$0xC2F0];
	s17 =	sshra.s32 s18, $0x2  }
0x17f: {  	v5 =	vmax.f32 v5, v33;
	v1 =	vmax.f32 v1, v35;
	v8 =	vld [tilespmem:s17+$0xC2A0];
	v3 =	vmax.f32 v3, v29  }
0x180: {  	v5 =	vmax.f32 v5, v18;
	v1 =	vmax.f32 v1, v19;
	v14 =	vld [tilespmem:s17+$0xC2B0];
	v3 =	vmax.f32 v3, v23  }
0x181: {  	v5 =	vmax.f32 v5, v10;
	v1 =	vmax.f32 v1, v9;
	v16 =	vld [tilespmem:s17+$0xC2C0];
	v3 =	vmax.f32 v3, v15  }
0x182: {  	v4 =	vmax.f32 v5, v4;
	v1 =	vmax.f32 v1, v6;
	v9 =	vld [tilespmem:s17+$0xC2D0];
	v3 =	vmax.f32 v3, v12  }
0x183: {  	v5 =	vmax.f32 v4, v2;
	v1 =	vmax.f32 v1, v0;
	v0 =	vld [tilespmem:s17+$0xC2E0];
	v3 =	vmax.f32 v3, v7  }
0x184: {  	v22 =	vld [tilespmem:s17+$0xC240]  }
0x185: {  	v23 =	vld [tilespmem:s17+$0xC250]  }
0x186: {  	v25 =	vld [tilespmem:s17+$0xC260]  }
0x187: {  	v4 =	vld [tilespmem:s17+$0xC270];
	v2 =	vmov v9  }
0x188: {  	v6 =	vld [tilespmem:s17+$0xC280]  }
0x189: {  	v38 =	vld [tilespmem:s17+$0xC1E0]  }
0x18a: {  	v39 =	vld [tilespmem:s17+$0xC1F0]  }
0x18b: {  	v40 =	vld [tilespmem:s17+$0xC200]  }
0x18c: {  	v10 =	vld [tilespmem:s17+$0xC210]  }
0x18d: {  	v9 =	vld [tilespmem:s17+$0xC220]  }
0x18e: {  	v41 =	vld [tilespmem:s17+$0xC180]  }
0x18f: {  	v44 =	vld [tilespmem:s17+$0xC190]  }
0x190: {  	v47 =	vld [tilespmem:s17+$0xC1A0]  }
0x191: {  	v18 =	vld [tilespmem:s17+$0xC1B0]  }
0x192: {  	v19 =	vld [tilespmem:s17+$0xC1C0]  }
0x193: {  	v53 =	vld [tilespmem:s17+$0xC120]  }
0x194: {  	v54 =	vld [tilespmem:s17+$0xC130]  }
0x195: {  	v55 =	vld [tilespmem:s17+$0xC140]  }
0x196: {  	v33 =	vld [tilespmem:s17+$0xC150]  }
0x197: {  	v35 =	vld [tilespmem:s17+$0xC160]  }
0x198: {  	v26 =	vld [tilespmem:s17+$0xC0C0]  }
0x199: {  	v27 =	vld [tilespmem:s17+$0xC0D0]  }
0x19a: {  	v28 =	vld [tilespmem:s17+$0xC0E0]  }
0x19b: {  	v17 =	vld [tilespmem:s17+$0xC060]  }
0x19c: {  	v29 =	vld [tilespmem:s17+$0xC070]  }
0x19d: {  	v13 =	vld [tilespmem:s17+$0xC000]  }
0x19e: {  	v15 =	vld [tilespmem:s17+$0xC010]  }
0x19f: {  	v30 =	vld [tilespmem:s17+$0xC020]  }
0x1a0: {  	v31 =	vld [tilespmem:s17+$0xC080]  }
0x1a1: {  	v11 =	vld [tilespmem:s17+$0xC0F0]  }
.Ltmp3:
0x1a2: {  	v7 =	vld [tilespmem:s17+$0xC100];
	(pc) =	sbr.rel @p0 .LBB2_8-.Ltmp3, $4  }
0x1a3: {  	v12 =	vld [tilespmem:s17+$0xC090]  }
0x1a4: {  	v20 =	vmax.f32 v20, v13;
	v21 =	vmax.f32 v21, v15;
	v24 =	vmax.f32 v24, v30;
	v13 =	vld [tilespmem:s17+$0xC0A0]  }
0x1a5: {  	v20 =	vmax.f32 v20, v17;
	v21 =	vmax.f32 v21, v29;
	v15 =	vld [tilespmem:s17+$0xC030];
	v24 =	vmax.f32 v24, v31  }
0x1a6: {  	s18 =	sadd.s32 $0xC00, s18;
	v20 =	vmax.f32 v20, v26;
	v21 =	vmax.f32 v21, v27;
	v17 =	vld [tilespmem:s17+$0xC040];
	v24 =	vmax.f32 v24, v28  }
0x1a7: {  	v20 =	vmax.f32 v20, v53;
	v21 =	vmax.f32 v21, v54;
	v24 =	vmax.f32 v24, v55  }
0x1a8: {  	v26 =	vld [tilespmem:s17+$0xC050];
	v20 =	vmax.f32 v20, v41;
	v21 =	vmax.f32 v21, v44;
	v24 =	vmax.f32 v24, v47  }
0x1a9: {  	v27 =	vld [tilespmem:s17+$0xC0B0];
	v20 =	vmax.f32 v20, v38;
	v21 =	vmax.f32 v21, v39;
	v24 =	vmax.f32 v24, v40  }
0x1aa: {  	v28 =	vld [tilespmem:s17+$0xC110];
	v20 =	vmax.f32 v20, v22;
	v21 =	vmax.f32 v21, v23;
	v57 =	vmax.f32 v24, v25  }
0x1ab: {  	v58 =	vld [tilespmem:s17+$0xC170];
	v5 =	vmax.f32 v5, v15;
	v8 =	vmax.f32 v20, v8;
	v14 =	vmax.f32 v21, v14  }
0x1ac: {  	v59 =	vld [tilespmem:s17+$0xC1D0];
	v16 =	vmax.f32 v57, v16;
	v1 =	vmax.f32 v1, v17;
	v5 =	vmax.f32 v5, v12  }
0x1ad: {  	v60 =	vld [tilespmem:s17+$0xC230];
	v3 =	vmax.f32 v3, v26;
	v1 =	vmax.f32 v1, v13;
	v5 =	vmax.f32 v5, v11  }
0x1ae: {  	v61 =	vld [tilespmem:s17+$0xC290];
	v3 =	vmax.f32 v3, v27;
	v1 =	vmax.f32 v1, v7;
	v5 =	vmax.f32 v5, v33  }
0x1af: {  	v62 =	vld [tilespmem:s17+$0xC2F0];
	v3 =	vmax.f32 v3, v28;
	v1 =	vmax.f32 v1, v35;
	v5 =	vmax.f32 v5, v18  }
0x1b0: {  	[tilespmem:$0x18000] =	vst v8;
	v3 =	vmax.f32 v3, v58;
	v1 =	vmax.f32 v1, v19;
	v5 =	vmax.f32 v5, v10  }
0x1b1: {  	[tilespmem:$0x18010] =	vst v14;
	v3 =	vmax.f32 v3, v59;
	v1 =	vmax.f32 v1, v9;
	v4 =	vmax.f32 v5, v4  }
0x1b2: {  	[tilespmem:$0x18020] =	vst v16;
	v3 =	vmax.f32 v3, v60;
	v1 =	vmax.f32 v1, v6;
	v2 =	vmax.f32 v4, v2  }
0x1b3: {  	s16 =	sadd.s32 $0x1, s16;
	v3 =	vmax.f32 v3, v61;
	v0 =	vmax.f32 v1, v0;
	[tilespmem:$0x18030] =	vst v2  }
0x1b4: {  	p0 =	sne.s32 s16, s8;
	v63 =	vmax.f32 v3, v62;
	[tilespmem:$0x18040] =	vst v0  }
.Ltmp4:
0x1b5: {  	[tilespmem:$0x18050] =	vst v63;
	(pc) =	sbr.rel @p0 .LBB2_1-.Ltmp4, $4  }
0x1b6: {  	[hbm4b:s7+s2] =	stream.linear.scatter [tilespmem:s14], [sflag:$0x3], $0x60, $0x38;
	[tilespmem:$0x18060] =	vst v63  }
0x1b7: {  	_ =	swait.ge [sflag:s15], $0x60  }
0x1b8: {  	[sflag:s15] =	ssyncset.done $0x0  }
0x1b9: {  	[sflag:s15] =	ssyncadd.s32 $0xFFFFFFA0  }
0x1ba: {  	_ =	sfence.sel $0x180000  }
0x1bb: {  	[bflag:$0x0] =	sbarrier.arrive $0xFFFF  }
0x1bc: {  	p0 =	sne.s32 s0, $0x0;
	_ =	strace $0x90000047  }
0x1bd: {  	s0 =	sadd.s32 @!p0 $0x100000, s1;
	[bflag:$0x2] =	sbarrier.arrive $0xFFFF  }
0x1be: {  	[sflag:s0] =	ssyncadd.tile.s32 @!p0 $0x1;
	_ =	shalt  }
.Lfunc_end2:
_tile_overlayer_lowered:
.L_overlay_start_2:
0x1bf: {  	(tag) =	ssettag $0x2  }
0x1c0: {  	s0 =	rddreg [dreg:$0x0];
	s2 =	stileid.u32  }
0x1c1: {  	s1 =	rddreg [dreg:$0x1];
	p0 =	sne.s32 s2, $0x0  }
0x1c2: {  	s3 =	rddreg [dreg:$0x2];
	[bflag:$0x3] =	sbarrier.arrive $0xFFFF;
	s2 =	simm.s32 @!p0 $0x1C03  }
0x1c3: {  	[timem:s3], [sflag:s2] =	dma.local @!p0 [hbm:s0], s1  }
0x1c4: {  	s0 =	simm.s32 @!p0 $0x3  }
0x1c5: {  	_ =	swait.ge @!p0 [sflag:s0], s1  }
0x1c6: {  	s1 =	ssub.s32 @!p0 $0x0, s1;
	[sflag:s0] =	ssyncset.done @!p0 $0x0  }
0x1c7: {  	[sflag:s0] =	ssyncadd.s32 @!p0 s1  }
0x1c8: {  	[bflag:$0x3] =	sbarrier.arrive $0xFFFF  }
0x1c9: {  	_ =	shalt  }

</sc_bundles>
